<compile_context>
chip_gen: v7x
topology: tpu7x:2x2x1
jax: 0.10.2.dev20260603
libtpu: 0.0.44.dev20260713+nightly
codegen_flags: <defaults>
</compile_context>

<pallas_src>
import functools

import jax
import jax.numpy as jnp
from jax import lax
from jax.experimental import pallas as pl
from jax.experimental.pallas import tpu as pltpu
from jax.experimental.pallas import tpu_sc as plsc

N_NODES = 50000
N_EDGES = 800000
EMB = 64
B = 4096
REGS = 1e-5

NC, NS, L = 2, 16, 16
NW = NC * NS

EPAD = 819200
HALF = 25000
ACC_R = 25600
DEN_N = 51200

_R1 = 400


def _tc_h_body(x_ref, w_ref, asrc_ref, adst_ref, h_ref, as_ref, ad_ref):
    h = jnp.dot(x_ref[...], w_ref[...], preferred_element_type=jnp.float32)
    h_ref[...] = h
    as_ref[...] = jnp.sum(h * asrc_ref[...][None, :], axis=1, keepdims=True)
    ad_ref[...] = jnp.sum(h * adst_ref[...][None, :], axis=1, keepdims=True)


def _tc_h(x, W, att_src, att_dst):
    grid = (N_NODES // _R1,)
    return pl.pallas_call(
        _tc_h_body,
        grid=grid,
        in_specs=[
            pl.BlockSpec((_R1, EMB), lambda i: (i, 0)),
            pl.BlockSpec((EMB, EMB), lambda i: (0, 0)),
            pl.BlockSpec((EMB,), lambda i: (0,)),
            pl.BlockSpec((EMB,), lambda i: (0,)),
        ],
        out_specs=[
            pl.BlockSpec((_R1, EMB), lambda i: (i, 0)),
            pl.BlockSpec((_R1, 1), lambda i: (i, 0)),
            pl.BlockSpec((_R1, 1), lambda i: (i, 0)),
        ],
        out_shape=[
            jax.ShapeDtypeStruct((N_NODES, EMB), jnp.float32),
            jax.ShapeDtypeStruct((N_NODES, 1), jnp.float32),
            jax.ShapeDtypeStruct((N_NODES, 1), jnp.float32),
        ],
    )(x, W, att_src, att_dst)


_E_TEC2 = EPAD // NW
_BLK2 = 1280
_SUB2 = _BLK2 // 128


def _sc_w_body(as_h, ad_h, src_h, dst_h, zden_h,
               w_out, den_out,
               as_v, ad_v, src_v, dst_v, didx_v, wsub_v, wblk_v, den_sh):
    c = lax.axis_index("c")
    s = lax.axis_index("s")
    wid = s * NC + c
    stripe = s * (DEN_N // NS)
    pltpu.sync_copy(zden_h, den_sh.at[pl.ds(stripe, DEN_N // NS)])
    pltpu.sync_copy(as_h, as_v)
    pltpu.sync_copy(ad_h, ad_v)
    plsc.subcore_barrier()

    base_e = wid * _E_TEC2

    def outer(b, carry):
        off = base_e + b * _BLK2
        pltpu.sync_copy(src_h.at[pl.ds(off, _BLK2)], src_v)
        pltpu.sync_copy(dst_h.at[pl.ds(off, _BLK2)], dst_v)

        def sub(u, carry2):
            for k in range(8):
                o = u * 128 + k * 16
                s16 = src_v[pl.ds(o, L)]
                d16 = dst_v[pl.ds(o, L)]
                av = plsc.load_gather(as_v, [s16])
                dv = plsc.load_gather(ad_v, [d16])
                e = av + dv
                e = jnp.maximum(e, 0.2 * e)
                w = jnp.exp(e)
                wsub_v[pl.ds(k * 16, L)] = w
                didx_v[pl.ds(k * 16, L)] = d16
                wblk_v[pl.ds(o, L)] = w
            pltpu.sync_copy(wsub_v, den_sh.at[didx_v], add=True)
            return carry2

        lax.fori_loop(0, _SUB2, sub, 0)
        pltpu.sync_copy(wblk_v, w_out.at[pl.ds(off, _BLK2)])
        return carry

    lax.fori_loop(0, _E_TEC2 // _BLK2, outer, 0)
    plsc.subcore_barrier()
    pltpu.sync_copy(den_sh.at[pl.ds(stripe, DEN_N // NS)],
                    den_out.at[c, pl.ds(stripe, DEN_N // NS)])


def _sc_w(a_s, a_d, src, dst, zden):
    f = functools.partial(
        pl.kernel,
        out_type=(
            jax.ShapeDtypeStruct((EPAD,), jnp.float32),
            jax.ShapeDtypeStruct((NC, DEN_N), jnp.float32),
        ),
        mesh=plsc.VectorSubcoreMesh(core_axis_name="c", subcore_axis_name="s"),
        compiler_params=pltpu.CompilerParams(needs_layout_passes=False, use_tc_tiling_on_sc=False),
        scratch_types=[
            pltpu.VMEM((N_NODES,), jnp.float32),
            pltpu.VMEM((N_NODES,), jnp.float32),
            pltpu.VMEM((_BLK2,), jnp.int32),
            pltpu.VMEM((_BLK2,), jnp.int32),
            pltpu.VMEM((128,), jnp.int32),
            pltpu.VMEM((128,), jnp.float32),
            pltpu.VMEM((_BLK2,), jnp.float32),
            pltpu.VMEM_SHARED((DEN_N,), jnp.float32),
        ],
    )(_sc_w_body)
    return f(a_s, a_d, src, dst, zden)


_E_TEC3 = EPAD // NS
_G3 = 128
_NB3 = _E_TEC3 // _G3


def _sc_acc_body(src_h, dst_h, w_h, h2_h, zacc_h,
                 acc_out,
                 src_v, sidx_v, par_v, dst_v, il_v, w_v, rows_v, srow_v,
                 acc_sh, sem):
    c = lax.axis_index("c")
    s = lax.axis_index("s")
    rstripe = s * (ACC_R // NS)
    pltpu.sync_copy(zacc_h, acc_sh.at[pl.ds(rstripe, ACC_R // NS), :])
    plsc.subcore_barrier()

    base_e = s * _E_TEC3
    half = c * HALF

    def blk(b, carry):
        off = base_e + b * _G3
        pltpu.sync_copy(src_h.at[pl.ds(off, _G3)], src_v)
        pltpu.sync_copy(dst_h.at[pl.ds(off, _G3)], dst_v)
        pltpu.sync_copy(w_h.at[pl.ds(off, _G3)], w_v)
        for k in range(8):
            s16 = src_v[pl.ds(k * 16, L)]
            sidx_v[pl.ds(k * 16, L)] = s16 >> 1
            par_v[pl.ds(k * 16, L)] = s16 & 1
            d16 = dst_v[pl.ds(k * 16, L)]
            il = d16 - half
            ok = (il >= 0) & (il < HALF)
            il_v[pl.ds(k * 16, L)] = jnp.where(ok, il, HALF)
        pltpu.async_copy(h2_h.at[sidx_v], rows_v, sem).wait()

        def scale(e, carry2):
            ev = jnp.full((L,), e, jnp.int32)
            wspl = plsc.load_gather(w_v, [ev])
            podd = plsc.load_gather(par_v, [ev]) == 1
            for r in range(EMB // L):
                lo = rows_v[e, pl.ds(r * L, L)]
                hi = rows_v[e, pl.ds(EMB + r * L, L)]
                srow_v[e, pl.ds(r * L, L)] = jnp.where(podd, hi, lo) * wspl
            return carry2

        lax.fori_loop(0, _G3, scale, 0)
        pltpu.sync_copy(srow_v, acc_sh.at[il_v], add=True)
        return carry

    lax.fori_loop(0, _NB3, blk, 0)
    plsc.subcore_barrier()
    pltpu.sync_copy(acc_sh.at[pl.ds(rstripe, ACC_R // NS), :],
                    acc_out.at[c, pl.ds(rstripe, ACC_R // NS), :])


def _sc_acc(src, dst, w, h2, zacc):
    f = functools.partial(
        pl.kernel,
        out_type=jax.ShapeDtypeStruct((NC, ACC_R, EMB), jnp.float32),
        mesh=plsc.VectorSubcoreMesh(core_axis_name="c", subcore_axis_name="s"),
        compiler_params=pltpu.CompilerParams(needs_layout_passes=False, use_tc_tiling_on_sc=False),
        scratch_types=[
            pltpu.VMEM((_G3,), jnp.int32),
            pltpu.VMEM((_G3,), jnp.int32),
            pltpu.VMEM((_G3,), jnp.int32),
            pltpu.VMEM((_G3,), jnp.int32),
            pltpu.VMEM((_G3,), jnp.int32),
            pltpu.VMEM((_G3,), jnp.float32),
            pltpu.VMEM((_G3, 2 * EMB), jnp.float32),
            pltpu.VMEM((_G3, EMB), jnp.float32),
            pltpu.VMEM_SHARED((ACC_R, EMB), jnp.float32),
            pltpu.SemaphoreType.DMA,
        ],
    )(_sc_acc_body)
    return f(src, dst, w, h2, zacc)


def _tc_fin_body(x_ref, acc_ref, h_ref, d0_ref, d1_ref, as_ref, ad_ref, b_ref,
                 out_ref):
    e = as_ref[...] + ad_ref[...]
    wself = jnp.exp(jnp.maximum(e, 0.2 * e))
    den = d0_ref[...] + d1_ref[...] + wself + 1e-16
    gcn = ((acc_ref[...] + wself * h_ref[...]) / den) + b_ref[...][None, :]
    out_ref[...] = jnp.concatenate([x_ref[...], gcn], axis=1)


def _tc_fin(x, acc, h, den0, den1, a_s, a_d, bias):
    grid = (N_NODES // _R1,)
    return pl.pallas_call(
        _tc_fin_body,
        grid=grid,
        in_specs=[
            pl.BlockSpec((_R1, EMB), lambda i: (i, 0)),
            pl.BlockSpec((_R1, EMB), lambda i: (i, 0)),
            pl.BlockSpec((_R1, EMB), lambda i: (i, 0)),
            pl.BlockSpec((_R1, 1), lambda i: (i, 0)),
            pl.BlockSpec((_R1, 1), lambda i: (i, 0)),
            pl.BlockSpec((_R1, 1), lambda i: (i, 0)),
            pl.BlockSpec((_R1, 1), lambda i: (i, 0)),
            pl.BlockSpec((EMB,), lambda i: (0,)),
        ],
        out_specs=pl.BlockSpec((_R1, 2 * EMB), lambda i: (i, 0)),
        out_shape=jax.ShapeDtypeStruct((N_NODES, 2 * EMB), jnp.float32),
    )(x, acc, h, den0, den1, a_s, a_d, bias)


_NIDS = 3 * B
_IDS_TEC = _NIDS // NW


def _sc_gather_body(ids_h, t_h, e_out, idx_v, r_v, sem):
    c = lax.axis_index("c")
    s = lax.axis_index("s")
    wid = s * NC + c
    base = wid * _IDS_TEC
    for t in range(_IDS_TEC // 128):
        off = base + t * 128
        pltpu.sync_copy(ids_h.at[pl.ds(off, 128)], idx_v)
        pltpu.async_copy(t_h.at[idx_v], r_v, sem).wait()
        pltpu.sync_copy(r_v, e_out.at[pl.ds(off, 128), :])


def _sc_gather(ids, table):
    f = functools.partial(
        pl.kernel,
        out_type=jax.ShapeDtypeStruct((_NIDS, 2 * EMB), jnp.float32),
        mesh=plsc.VectorSubcoreMesh(core_axis_name="c", subcore_axis_name="s"),
        compiler_params=pltpu.CompilerParams(needs_layout_passes=False, use_tc_tiling_on_sc=False),
        scratch_types=[
            pltpu.VMEM((128,), jnp.int32),
            pltpu.VMEM((128, 2 * EMB), jnp.float32),
            pltpu.SemaphoreType.DMA,
        ],
    )(_sc_gather_body)
    return f(ids, table)


def _tc_score_body(ue, pe, ne, reward_ref, loss_ref, bpr_ref, reg_ref):
    uev, pev, nev = ue[...], pe[...], ne[...]
    ps = jnp.sum(uev * pev, axis=1)
    ns_ = jnp.sum(uev * nev, axis=1)
    ij = jnp.sum(nev * pev, axis=1)
    reward_ref[...] = ns_ + ij
    z = ps - ns_
    bpr = jnp.sum(jnp.log(1.0 + jnp.exp(-z))) / B
    reg = REGS * 0.5 * (jnp.sum(uev * uev) + jnp.sum(pev * pev)
                        + jnp.sum(nev * nev))
    bpr_ref[...] = jnp.reshape(bpr, (1, 1))
    reg_ref[...] = jnp.reshape(reg, (1, 1))
    loss_ref[...] = jnp.reshape(bpr + reg, (1, 1))


def _tc_score(ue, pe, ne):
    full = pl.BlockSpec((B, 2 * EMB), lambda: (0, 0))
    one = pl.BlockSpec((1, 1), lambda: (0, 0))
    return pl.pallas_call(
        _tc_score_body,
        grid=(),
        in_specs=[full] * 3,
        out_specs=[pl.BlockSpec((B,), lambda: (0,)), one, one, one],
        out_shape=[
            jax.ShapeDtypeStruct((B,), jnp.float32),
            jax.ShapeDtypeStruct((1, 1), jnp.float32),
            jax.ShapeDtypeStruct((1, 1), jnp.float32),
            jax.ShapeDtypeStruct((1, 1), jnp.float32),
        ],
    )(ue, pe, ne)


def kernel(x, edge_index, u_id, pos_i_id, neg_i_id, W, att_src, att_dst, bias):
    x = x.astype(jnp.float32)
    src = edge_index[0].astype(jnp.int32)
    dst = edge_index[1].astype(jnp.int32)
    npad = EPAD - N_EDGES
    src = jnp.concatenate([src, jnp.zeros((npad,), jnp.int32)])
    dst = jnp.concatenate([dst, jnp.full((npad,), N_NODES, jnp.int32)])

    h, a_s, a_d = _tc_h(x, W, att_src, att_dst)

    zden = jnp.zeros((DEN_N // NS,), jnp.float32)
    w_e, den = _sc_w(a_s.reshape(-1), a_d.reshape(-1), src, dst, zden)

    zacc = jnp.zeros((ACC_R // NS, EMB), jnp.float32)
    acc = _sc_acc(src, dst, w_e, h.reshape(N_NODES // 2, 2 * EMB), zacc)

    acc_cat = jnp.concatenate([acc[0, :HALF], acc[1, :HALF]], axis=0)
    table = _tc_fin(x, acc_cat, h,
                    den[0, :N_NODES].reshape(-1, 1),
                    den[1, :N_NODES].reshape(-1, 1),
                    a_s, a_d, bias)

    ids = jnp.concatenate([u_id, pos_i_id, neg_i_id]).astype(jnp.int32)
    emb = _sc_gather(ids, table)

    ue, pe, ne = emb[:B], emb[B:2 * B], emb[2 * B:]
    reward, loss, bpr_loss, reg_loss = _tc_score(ue, pe, ne)
    return (reward, loss.reshape(()), bpr_loss.reshape(()), reg_loss.reshape(()))

# --- scband reference (transcript-rebuilt; emitter-appended) ---
"""Pipeline reference for scband-kgat-65609920414403 (READ-ONLY COPY).

The authoritative reference and input builder live on the scoring server;
editing this copy changes nothing except your own understanding.
"""

import jax, jax.numpy as jnp
import numpy as np

N_NODES = 50000
N_EDGES = 800000
EMB = 64
B = 4096
REGS = 1e-5


def setup_inputs(seed: int = 0) -> dict:
    key = jax.random.key(seed)
    ks = jax.random.split(key, 10)
    x = jax.random.normal(ks[0], (N_NODES, EMB), dtype=jnp.float32) * 0.1
    edge_index = jax.random.randint(ks[1], (2, N_EDGES), 0, N_NODES, dtype=jnp.int64)
    u_id = jax.random.randint(ks[2], (B,), 0, N_NODES, dtype=jnp.int64)
    pos_i_id = jax.random.randint(ks[3], (B,), 0, N_NODES, dtype=jnp.int64)
    neg_i_id = jax.random.randint(ks[4], (B,), 0, N_NODES, dtype=jnp.int64)
    # GATConv(64, 64, heads=1) parameters
    W = jax.random.normal(ks[5], (EMB, EMB), dtype=jnp.float32) * (1.0 / np.sqrt(EMB))
    att_src = jax.random.normal(ks[6], (EMB,), dtype=jnp.float32) * 0.1
    att_dst = jax.random.normal(ks[7], (EMB,), dtype=jnp.float32) * 0.1
    bias = jnp.zeros((EMB,), dtype=jnp.float32)
    return {"x": x, "edge_index": edge_index, "u_id": u_id, "pos_i_id": pos_i_id,
            "neg_i_id": neg_i_id, "W": W, "att_src": att_src, "att_dst": att_dst, "bias": bias}


def _gat_conv(x, edge_index, W, att_src, att_dst, bias):
    # PyG GATConv with heads=1, add_self_loops=True, negative_slope=0.2
    n = x.shape[0]
    h = x @ W
    loops = jnp.arange(n, dtype=edge_index.dtype)
    src = jnp.concatenate([edge_index[0], loops])
    dst = jnp.concatenate([edge_index[1], loops])
    a_s = h @ att_src
    a_d = h @ att_dst
    e = jax.nn.leaky_relu(a_s[src] + a_d[dst], negative_slope=0.2)
    m = jax.ops.segment_max(e, dst, num_segments=n)
    m = jnp.where(jnp.isfinite(m), m, 0.0)
    ex = jnp.exp(e - m[dst])
    denom = jax.ops.segment_sum(ex, dst, num_segments=n)
    alpha = ex / (denom[dst] + 1e-16)
    out = jax.ops.segment_sum(alpha[:, None] * h[src], dst, num_segments=n)
    return out + bias


def _l2(t):
    return jnp.sum(t ** 2) / 2.0


def reference(x, edge_index, u_id, pos_i_id, neg_i_id, W, att_src, att_dst, bias):
    gcn_embedding = _gat_conv(x, edge_index, W, att_src, att_dst, bias)
    u_e = jnp.concatenate([x[u_id], gcn_embedding[u_id]], axis=1)
    pos_e = jnp.concatenate([x[pos_i_id], gcn_embedding[pos_i_id]], axis=1)
    neg_e = jnp.concatenate([x[neg_i_id], gcn_embedding[neg_i_id]], axis=1)
    pos_scores = jnp.sum(u_e * pos_e, axis=1)
    neg_scores = jnp.sum(u_e * neg_e, axis=1)
    bpr = jnp.log(jax.nn.sigmoid(pos_scores - neg_scores))
    bpr_loss = -jnp.mean(bpr)
    reg_loss = REGS * (_l2(u_e) + _l2(pos_e) + _l2(neg_e))
    loss = bpr_loss + reg_loss
    ij = jnp.sum(neg_e * pos_e, axis=1)
    reward = neg_scores + ij
    return (reward, loss, bpr_loss, reg_loss)

if __name__ == "__main__":
    import jax
    _d = setup_inputs()
    print(jax.jit(kernel)(*tuple(_d.values())))

</pallas_src>

<mosaic_0001>
#map = affine_map<(d0, d1) -> (0)>
#map1 = affine_map<(d0, d1) -> (0, 0)>
module attributes {stable_mosaic.version = 14 : i64} {
  func.func @_sc_w_body(%arg0: i32, %arg1: i32, %arg2: memref<50000xf32, #tpu.memory_space<hbm>>, %arg3: memref<50000xf32, #tpu.memory_space<hbm>>, %arg4: memref<819200xi32, #tpu.memory_space<hbm>>, %arg5: memref<819200xi32, #tpu.memory_space<hbm>>, %arg6: memref<3200xf32, #tpu.memory_space<hbm>>, %arg7: memref<819200xf32, #tpu.memory_space<hbm>>, %arg8: memref<2x51200xf32, #tpu.memory_space<hbm>>, %arg9: memref<50000xf32, #tpu.memory_space<vmem>>, %arg10: memref<50000xf32, #tpu.memory_space<vmem>>, %arg11: memref<1280xi32, #tpu.memory_space<vmem>>, %arg12: memref<1280xi32, #tpu.memory_space<vmem>>, %arg13: memref<128xi32, #tpu.memory_space<vmem>>, %arg14: memref<128xf32, #tpu.memory_space<vmem>>, %arg15: memref<1280xf32, #tpu.memory_space<vmem>>, %arg16: memref<51200xf32, #tpu.memory_space<vmem_shared>>) attributes {dimension_semantics = [#tpu.dimension_semantics<core_parallel>, #tpu.dimension_semantics<subcore_parallel>], iteration_bounds = array<i64: 2, 16>, scalar_prefetch = 0 : i64, scratch_operands = 8 : i64, tpu.core_type = #tpu.core_type<sc_vector_subcore>, window_params = [{transform_indices = #map}, {transform_indices = #map}, {transform_indices = #map}, {transform_indices = #map}, {transform_indices = #map}, {transform_indices = #map}, {transform_indices = #map1}]} {
    %mul3A = arith.constant 2 : i32
    %mul3A_0 = arith.muli %arg1, %mul3A : i32
    %add3A = arith.addi %mul3A_0, %arg0 : i32
    %mul3A_1 = arith.constant 3200 : i32
    %mul3A_2 = arith.muli %arg1, %mul3A_1 : i32
    "tpu.region"() ({
      %run_scoped3A = tpu.sem_alloc : memref<!tpu.dma_semaphore, #tpu.memory_space<semaphore_mem>>
      %dma_start3A = tpu.memref_slice %arg16[%mul3A_2] : memref<51200xf32, #tpu.memory_space<vmem_shared>> -> memref<3200xf32, #tpu.memory_space<vmem_shared>>
      tpu.enqueue_dma source(%arg6 : memref<3200xf32, #tpu.memory_space<hbm>>) target(%dma_start3A : memref<3200xf32, #tpu.memory_space<vmem_shared>>) target_semaphore(%run_scoped3A : memref<!tpu.dma_semaphore, #tpu.memory_space<semaphore_mem>>)
      %dma_wait3A = tpu.memref_slice %arg16[%mul3A_2] : memref<51200xf32, #tpu.memory_space<vmem_shared>> -> memref<3200xf32, #tpu.memory_space<vmem_shared>>
      tpu.wait_dma2 semaphore(%run_scoped3A : memref<!tpu.dma_semaphore, #tpu.memory_space<semaphore_mem>>) src(%arg6 : memref<3200xf32, #tpu.memory_space<hbm>>) dst(%dma_wait3A : memref<3200xf32, #tpu.memory_space<vmem_shared>>)
      tpu.yield
    }) : () -> ()
    "tpu.region"() ({
      %run_scoped3A = tpu.sem_alloc : memref<!tpu.dma_semaphore, #tpu.memory_space<semaphore_mem>>
      tpu.enqueue_dma source(%arg2 : memref<50000xf32, #tpu.memory_space<hbm>>) target(%arg9 : memref<50000xf32, #tpu.memory_space<vmem>>) target_semaphore(%run_scoped3A : memref<!tpu.dma_semaphore, #tpu.memory_space<semaphore_mem>>)
      tpu.wait_dma2 semaphore(%run_scoped3A : memref<!tpu.dma_semaphore, #tpu.memory_space<semaphore_mem>>) src(%arg2 : memref<50000xf32, #tpu.memory_space<hbm>>) dst(%arg9 : memref<50000xf32, #tpu.memory_space<vmem>>)
      tpu.yield
    }) : () -> ()
    "tpu.region"() ({
      %run_scoped3A = tpu.sem_alloc : memref<!tpu.dma_semaphore, #tpu.memory_space<semaphore_mem>>
      tpu.enqueue_dma source(%arg3 : memref<50000xf32, #tpu.memory_space<hbm>>) target(%arg10 : memref<50000xf32, #tpu.memory_space<vmem>>) target_semaphore(%run_scoped3A : memref<!tpu.dma_semaphore, #tpu.memory_space<semaphore_mem>>)
      tpu.wait_dma2 semaphore(%run_scoped3A : memref<!tpu.dma_semaphore, #tpu.memory_space<semaphore_mem>>) src(%arg3 : memref<50000xf32, #tpu.memory_space<hbm>>) dst(%arg10 : memref<50000xf32, #tpu.memory_space<vmem>>)
      tpu.yield
    }) : () -> ()
    %barrier3A = arith.constant 0 : index
    tpu.barrier barrier_id(%barrier3A)
    %mul3A_3 = arith.constant 25600 : i32
    %mul3A_4 = arith.muli %add3A, %mul3A_3 : i32
    %scan3A = arith.constant 0 : i32
    %scan3A_5 = arith.constant 0 : i32
    %scan3A_6 = arith.constant 20 : i32
    %scan3A_7 = arith.addi %scan3A_5, %scan3A_6 : i32
    %scan3A_8 = arith.constant 1 : i32
    scf.for %scan3A_11 = %scan3A_5 to %scan3A_7 step %scan3A_8  : i32 {
      %mul3A_12 = arith.constant 1280 : i32
      %mul3A_13 = arith.muli %scan3A_11, %mul3A_12 : i32
      %add3A_14 = arith.addi %mul3A_4, %mul3A_13 : i32
      "tpu.region"() ({
        %run_scoped3A = tpu.sem_alloc : memref<!tpu.dma_semaphore, #tpu.memory_space<semaphore_mem>>
        %dma_start3A = tpu.memref_slice %arg4[%add3A_14] : memref<819200xi32, #tpu.memory_space<hbm>> -> memref<1280xi32, #tpu.memory_space<hbm>>
        %dma_start3A_21 = tpu.memref_slice %arg4[%add3A_14] : memref<819200xi32, #tpu.memory_space<hbm>> -> memref<1280xi32, #tpu.memory_space<hbm>>
        tpu.enqueue_dma source(%dma_start3A_21 : memref<1280xi32, #tpu.memory_space<hbm>>) target(%arg11 : memref<1280xi32, #tpu.memory_space<vmem>>) target_semaphore(%run_scoped3A : memref<!tpu.dma_semaphore, #tpu.memory_space<semaphore_mem>>)
        %dma_wait3A = tpu.memref_slice %arg4[%add3A_14] : memref<819200xi32, #tpu.memory_space<hbm>> -> memref<1280xi32, #tpu.memory_space<hbm>>
        %dma_wait3A_22 = tpu.memref_slice %arg4[%add3A_14] : memref<819200xi32, #tpu.memory_space<hbm>> -> memref<1280xi32, #tpu.memory_space<hbm>>
        tpu.wait_dma2 semaphore(%run_scoped3A : memref<!tpu.dma_semaphore, #tpu.memory_space<semaphore_mem>>) src(%dma_wait3A_22 : memref<1280xi32, #tpu.memory_space<hbm>>) dst(%arg11 : memref<1280xi32, #tpu.memory_space<vmem>>)
        tpu.yield
      }) : () -> ()
      "tpu.region"() ({
        %run_scoped3A = tpu.sem_alloc : memref<!tpu.dma_semaphore, #tpu.memory_space<semaphore_mem>>
        %dma_start3A = tpu.memref_slice %arg5[%add3A_14] : memref<819200xi32, #tpu.memory_space<hbm>> -> memref<1280xi32, #tpu.memory_space<hbm>>
        %dma_start3A_21 = tpu.memref_slice %arg5[%add3A_14] : memref<819200xi32, #tpu.memory_space<hbm>> -> memref<1280xi32, #tpu.memory_space<hbm>>
        tpu.enqueue_dma source(%dma_start3A_21 : memref<1280xi32, #tpu.memory_space<hbm>>) target(%arg12 : memref<1280xi32, #tpu.memory_space<vmem>>) target_semaphore(%run_scoped3A : memref<!tpu.dma_semaphore, #tpu.memory_space<semaphore_mem>>)
        %dma_wait3A = tpu.memref_slice %arg5[%add3A_14] : memref<819200xi32, #tpu.memory_space<hbm>> -> memref<1280xi32, #tpu.memory_space<hbm>>
        %dma_wait3A_22 = tpu.memref_slice %arg5[%add3A_14] : memref<819200xi32, #tpu.memory_space<hbm>> -> memref<1280xi32, #tpu.memory_space<hbm>>
        tpu.wait_dma2 semaphore(%run_scoped3A : memref<!tpu.dma_semaphore, #tpu.memory_space<semaphore_mem>>) src(%dma_wait3A_22 : memref<1280xi32, #tpu.memory_space<hbm>>) dst(%arg12 : memref<1280xi32, #tpu.memory_space<vmem>>)
        tpu.yield
      }) : () -> ()
      %scan3A_15 = arith.constant 0 : i32
      %scan3A_16 = arith.constant 0 : i32
      %scan3A_17 = arith.constant 10 : i32
      %scan3A_18 = arith.addi %scan3A_16, %scan3A_17 : i32
      %scan3A_19 = arith.constant 1 : i32
      scf.for %scan3A_21 = %scan3A_16 to %scan3A_18 step %scan3A_19  : i32 {
        %mul3A_22 = arith.constant 128 : i32
        %mul3A_23 = arith.muli %scan3A_21, %mul3A_22 : i32
        %add3A_24 = arith.constant 0 : i32
        %add3A_25 = arith.addi %mul3A_23, %add3A_24 : i32
        %get3A = arith.index_cast %add3A_25 : i32 to index
        %get3A_26 = tpu.vector_load %arg11[%get3A] {strides = array<i32>} : memref<1280xi32, #tpu.memory_space<vmem>>, vector<16xi32>,
        %get3A_27 = arith.index_cast %add3A_25 : i32 to index
        %get3A_28 = tpu.vector_load %arg12[%get3A_27] {strides = array<i32>} : memref<1280xi32, #tpu.memory_space<vmem>>, vector<16xi32>,
        %gather3A = tpu.vector_load_idx %arg9[%get3A_26] : memref<50000xf32, #tpu.memory_space<vmem>>[vector<16xi32>], vector<16xf32>,
        %gather3A_29 = tpu.vector_load_idx %arg10[%get3A_28] : memref<50000xf32, #tpu.memory_space<vmem>>[vector<16xi32>], vector<16xf32>,
        %add3A_30 = arith.addf %gather3A, %gather3A_29 : vector<16xf32>
        %mul3A_31 = arith.constant 2.000000e-01 : f32
        %mul3A_32 = vector.broadcast %mul3A_31 : f32 to vector<16xf32>
        %mul3A_33 = arith.mulf %mul3A_32, %add3A_30 : vector<16xf32>
        %max3A = arith.maximumf %add3A_30, %mul3A_33 : vector<16xf32>
        %exp3A = math.exp %max3A : vector<16xf32>
        %swap3A = arith.constant 0 : index
        %swap3A_34 = tpu.vector_load %arg14[%swap3A] {strides = array<i32>} : memref<128xf32, #tpu.memory_space<vmem>>, vector<16xf32>,
        tpu.vector_store %arg14[%swap3A], %exp3A {strides = array<i32>} : memref<128xf32, #tpu.memory_space<vmem>>, vector<16xf32>,
        %swap3A_35 = arith.constant 0 : index
        %swap3A_36 = tpu.vector_load %arg13[%swap3A_35] {strides = array<i32>} : memref<128xi32, #tpu.memory_space<vmem>>, vector<16xi32>,
        tpu.vector_store %arg13[%swap3A_35], %get3A_28 {strides = array<i32>} : memref<128xi32, #tpu.memory_space<vmem>>, vector<16xi32>,
        %swap3A_37 = arith.index_cast %add3A_25 : i32 to index
        %swap3A_38 = tpu.vector_load %arg15[%swap3A_37] {strides = array<i32>} : memref<1280xf32, #tpu.memory_space<vmem>>, vector<16xf32>,
        tpu.vector_store %arg15[%swap3A_37], %exp3A {strides = array<i32>} : memref<1280xf32, #tpu.memory_space<vmem>>, vector<16xf32>,
        %mul3A_39 = arith.constant 128 : i32
        %mul3A_40 = arith.muli %scan3A_21, %mul3A_39 : i32
        %add3A_41 = arith.constant 16 : i32
        %add3A_42 = arith.addi %mul3A_40, %add3A_41 : i32
        %get3A_43 = arith.index_cast %add3A_42 : i32 to index
        %get3A_44 = tpu.vector_load %arg11[%get3A_43] {strides = array<i32>} : memref<1280xi32, #tpu.memory_space<vmem>>, vector<16xi32>,
        %get3A_45 = arith.index_cast %add3A_42 : i32 to index
        %get3A_46 = tpu.vector_load %arg12[%get3A_45] {strides = array<i32>} : memref<1280xi32, #tpu.memory_space<vmem>>, vector<16xi32>,
        %gather3A_47 = tpu.vector_load_idx %arg9[%get3A_44] : memref<50000xf32, #tpu.memory_space<vmem>>[vector<16xi32>], vector<16xf32>,
        %gather3A_48 = tpu.vector_load_idx %arg10[%get3A_46] : memref<50000xf32, #tpu.memory_space<vmem>>[vector<16xi32>], vector<16xf32>,
        %add3A_49 = arith.addf %gather3A_47, %gather3A_48 : vector<16xf32>
        %mul3A_50 = arith.constant 2.000000e-01 : f32
        %mul3A_51 = vector.broadcast %mul3A_50 : f32 to vector<16xf32>
        %mul3A_52 = arith.mulf %mul3A_51, %add3A_49 : vector<16xf32>
        %max3A_53 = arith.maximumf %add3A_49, %mul3A_52 : vector<16xf32>
        %exp3A_54 = math.exp %max3A_53 : vector<16xf32>
        %swap3A_55 = arith.constant 16 : index
        %swap3A_56 = tpu.vector_load %arg14[%swap3A_55] {strides = array<i32>} : memref<128xf32, #tpu.memory_space<vmem>>, vector<16xf32>,
        tpu.vector_store %arg14[%swap3A_55], %exp3A_54 {strides = array<i32>} : memref<128xf32, #tpu.memory_space<vmem>>, vector<16xf32>,
        %swap3A_57 = arith.constant 16 : index
        %swap3A_58 = tpu.vector_load %arg13[%swap3A_57] {strides = array<i32>} : memref<128xi32, #tpu.memory_space<vmem>>, vector<16xi32>,
        tpu.vector_store %arg13[%swap3A_57], %get3A_46 {strides = array<i32>} : memref<128xi32, #tpu.memory_space<vmem>>, vector<16xi32>,
        %swap3A_59 = arith.index_cast %add3A_42 : i32 to index
        %swap3A_60 = tpu.vector_load %arg15[%swap3A_59] {strides = array<i32>} : memref<1280xf32, #tpu.memory_space<vmem>>, vector<16xf32>,
        tpu.vector_store %arg15[%swap3A_59], %exp3A_54 {strides = array<i32>} : memref<1280xf32, #tpu.memory_space<vmem>>, vector<16xf32>,
        %mul3A_61 = arith.constant 128 : i32
        %mul3A_62 = arith.muli %scan3A_21, %mul3A_61 : i32
        %add3A_63 = arith.constant 32 : i32
        %add3A_64 = arith.addi %mul3A_62, %add3A_63 : i32
        %get3A_65 = arith.index_cast %add3A_64 : i32 to index
        %get3A_66 = tpu.vector_load %arg11[%get3A_65] {strides = array<i32>} : memref<1280xi32, #tpu.memory_space<vmem>>, vector<16xi32>,
        %get3A_67 = arith.index_cast %add3A_64 : i32 to index
        %get3A_68 = tpu.vector_load %arg12[%get3A_67] {strides = array<i32>} : memref<1280xi32, #tpu.memory_space<vmem>>, vector<16xi32>,
        %gather3A_69 = tpu.vector_load_idx %arg9[%get3A_66] : memref<50000xf32, #tpu.memory_space<vmem>>[vector<16xi32>], vector<16xf32>,
        %gather3A_70 = tpu.vector_load_idx %arg10[%get3A_68] : memref<50000xf32, #tpu.memory_space<vmem>>[vector<16xi32>], vector<16xf32>,
        %add3A_71 = arith.addf %gather3A_69, %gather3A_70 : vector<16xf32>
        %mul3A_72 = arith.constant 2.000000e-01 : f32
        %mul3A_73 = vector.broadcast %mul3A_72 : f32 to vector<16xf32>
        %mul3A_74 = arith.mulf %mul3A_73, %add3A_71 : vector<16xf32>
        %max3A_75 = arith.maximumf %add3A_71, %mul3A_74 : vector<16xf32>
        %exp3A_76 = math.exp %max3A_75 : vector<16xf32>
        %swap3A_77 = arith.constant 32 : index
        %swap3A_78 = tpu.vector_load %arg14[%swap3A_77] {strides = array<i32>} : memref<128xf32, #tpu.memory_space<vmem>>, vector<16xf32>,
        tpu.vector_store %arg14[%swap3A_77], %exp3A_76 {strides = array<i32>} : memref<128xf32, #tpu.memory_space<vmem>>, vector<16xf32>,
        %swap3A_79 = arith.constant 32 : index
        %swap3A_80 = tpu.vector_load %arg13[%swap3A_79] {strides = array<i32>} : memref<128xi32, #tpu.memory_space<vmem>>, vector<16xi32>,
        tpu.vector_store %arg13[%swap3A_79], %get3A_68 {strides = array<i32>} : memref<128xi32, #tpu.memory_space<vmem>>, vector<16xi32>,
        %swap3A_81 = arith.index_cast %add3A_64 : i32 to index
        %swap3A_82 = tpu.vector_load %arg15[%swap3A_81] {strides = array<i32>} : memref<1280xf32, #tpu.memory_space<vmem>>, vector<16xf32>,
        tpu.vector_store %arg15[%swap3A_81], %exp3A_76 {strides = array<i32>} : memref<1280xf32, #tpu.memory_space<vmem>>, vector<16xf32>,
        %mul3A_83 = arith.constant 128 : i32
        %mul3A_84 = arith.muli %scan3A_21, %mul3A_83 : i32
        %add3A_85 = arith.constant 48 : i32
        %add3A_86 = arith.addi %mul3A_84, %add3A_85 : i32
        %get3A_87 = arith.index_cast %add3A_86 : i32 to index
        %get3A_88 = tpu.vector_load %arg11[%get3A_87] {strides = array<i32>} : memref<1280xi32, #tpu.memory_space<vmem>>, vector<16xi32>,
        %get3A_89 = arith.index_cast %add3A_86 : i32 to index
        %get3A_90 = tpu.vector_load %arg12[%get3A_89] {strides = array<i32>} : memref<1280xi32, #tpu.memory_space<vmem>>, vector<16xi32>,
        %gather3A_91 = tpu.vector_load_idx %arg9[%get3A_88] : memref<50000xf32, #tpu.memory_space<vmem>>[vector<16xi32>], vector<16xf32>,
        %gather3A_92 = tpu.vector_load_idx %arg10[%get3A_90] : memref<50000xf32, #tpu.memory_space<vmem>>[vector<16xi32>], vector<16xf32>,
        %add3A_93 = arith.addf %gather3A_91, %gather3A_92 : vector<16xf32>
        %mul3A_94 = arith.constant 2.000000e-01 : f32
        %mul3A_95 = vector.broadcast %mul3A_94 : f32 to vector<16xf32>
        %mul3A_96 = arith.mulf %mul3A_95, %add3A_93 : vector<16xf32>
        %max3A_97 = arith.maximumf %add3A_93, %mul3A_96 : vector<16xf32>
        %exp3A_98 = math.exp %max3A_97 : vector<16xf32>
        %swap3A_99 = arith.constant 48 : index
        %swap3A_100 = tpu.vector_load %arg14[%swap3A_99] {strides = array<i32>} : memref<128xf32, #tpu.memory_space<vmem>>, vector<16xf32>,
        tpu.vector_store %arg14[%swap3A_99], %exp3A_98 {strides = array<i32>} : memref<128xf32, #tpu.memory_space<vmem>>, vector<16xf32>,
        %swap3A_101 = arith.constant 48 : index
        %swap3A_102 = tpu.vector_load %arg13[%swap3A_101] {strides = array<i32>} : memref<128xi32, #tpu.memory_space<vmem>>, vector<16xi32>,
        tpu.vector_store %arg13[%swap3A_101], %get3A_90 {strides = array<i32>} : memref<128xi32, #tpu.memory_space<vmem>>, vector<16xi32>,
        %swap3A_103 = arith.index_cast %add3A_86 : i32 to index
        %swap3A_104 = tpu.vector_load %arg15[%swap3A_103] {strides = array<i32>} : memref<1280xf32, #tpu.memory_space<vmem>>, vector<16xf32>,
        tpu.vector_store %arg15[%swap3A_103], %exp3A_98 {strides = array<i32>} : memref<1280xf32, #tpu.memory_space<vmem>>, vector<16xf32>,
        %mul3A_105 = arith.constant 128 : i32
        %mul3A_106 = arith.muli %scan3A_21, %mul3A_105 : i32
        %add3A_107 = arith.constant 64 : i32
        %add3A_108 = arith.addi %mul3A_106, %add3A_107 : i32
        %get3A_109 = arith.index_cast %add3A_108 : i32 to index
        %get3A_110 = tpu.vector_load %arg11[%get3A_109] {strides = array<i32>} : memref<1280xi32, #tpu.memory_space<vmem>>, vector<16xi32>,
        %get3A_111 = arith.index_cast %add3A_108 : i32 to index
        %get3A_112 = tpu.vector_load %arg12[%get3A_111] {strides = array<i32>} : memref<1280xi32, #tpu.memory_space<vmem>>, vector<16xi32>,
        %gather3A_113 = tpu.vector_load_idx %arg9[%get3A_110] : memref<50000xf32, #tpu.memory_space<vmem>>[vector<16xi32>], vector<16xf32>,
        %gather3A_114 = tpu.vector_load_idx %arg10[%get3A_112] : memref<50000xf32, #tpu.memory_space<vmem>>[vector<16xi32>], vector<16xf32>,
        %add3A_115 = arith.addf %gather3A_113, %gather3A_114 : vector<16xf32>
        %mul3A_116 = arith.constant 2.000000e-01 : f32
        %mul3A_117 = vector.broadcast %mul3A_116 : f32 to vector<16xf32>
        %mul3A_118 = arith.mulf %mul3A_117, %add3A_115 : vector<16xf32>
        %max3A_119 = arith.maximumf %add3A_115, %mul3A_118 : vector<16xf32>
        %exp3A_120 = math.exp %max3A_119 : vector<16xf32>
        %swap3A_121 = arith.constant 64 : index
        %swap3A_122 = tpu.vector_load %arg14[%swap3A_121] {strides = array<i32>} : memref<128xf32, #tpu.memory_space<vmem>>, vector<16xf32>,
        tpu.vector_store %arg14[%swap3A_121], %exp3A_120 {strides = array<i32>} : memref<128xf32, #tpu.memory_space<vmem>>, vector<16xf32>,
        %swap3A_123 = arith.constant 64 : index
        %swap3A_124 = tpu.vector_load %arg13[%swap3A_123] {strides = array<i32>} : memref<128xi32, #tpu.memory_space<vmem>>, vector<16xi32>,
        tpu.vector_store %arg13[%swap3A_123], %get3A_112 {strides = array<i32>} : memref<128xi32, #tpu.memory_space<vmem>>, vector<16xi32>,
        %swap3A_125 = arith.index_cast %add3A_108 : i32 to index
        %swap3A_126 = tpu.vector_load %arg15[%swap3A_125] {strides = array<i32>} : memref<1280xf32, #tpu.memory_space<vmem>>, vector<16xf32>,
        tpu.vector_store %arg15[%swap3A_125], %exp3A_120 {strides = array<i32>} : memref<1280xf32, #tpu.memory_space<vmem>>, vector<16xf32>,
        %mul3A_127 = arith.constant 128 : i32
        %mul3A_128 = arith.muli %scan3A_21, %mul3A_127 : i32
        %add3A_129 = arith.constant 80 : i32
        %add3A_130 = arith.addi %mul3A_128, %add3A_129 : i32
        %get3A_131 = arith.index_cast %add3A_130 : i32 to index
        %get3A_132 = tpu.vector_load %arg11[%get3A_131] {strides = array<i32>} : memref<1280xi32, #tpu.memory_space<vmem>>, vector<16xi32>,
        %get3A_133 = arith.index_cast %add3A_130 : i32 to index
        %get3A_134 = tpu.vector_load %arg12[%get3A_133] {strides = array<i32>} : memref<1280xi32, #tpu.memory_space<vmem>>, vector<16xi32>,
        %gather3A_135 = tpu.vector_load_idx %arg9[%get3A_132] : memref<50000xf32, #tpu.memory_space<vmem>>[vector<16xi32>], vector<16xf32>,
        %gather3A_136 = tpu.vector_load_idx %arg10[%get3A_134] : memref<50000xf32, #tpu.memory_space<vmem>>[vector<16xi32>], vector<16xf32>,
        %add3A_137 = arith.addf %gather3A_135, %gather3A_136 : vector<16xf32>
        %mul3A_138 = arith.constant 2.000000e-01 : f32
        %mul3A_139 = vector.broadcast %mul3A_138 : f32 to vector<16xf32>
        %mul3A_140 = arith.mulf %mul3A_139, %add3A_137 : vector<16xf32>
        %max3A_141 = arith.maximumf %add3A_137, %mul3A_140 : vector<16xf32>
        %exp3A_142 = math.exp %max3A_141 : vector<16xf32>
        %swap3A_143 = arith.constant 80 : index
        %swap3A_144 = tpu.vector_load %arg14[%swap3A_143] {strides = array<i32>} : memref<128xf32, #tpu.memory_space<vmem>>, vector<16xf32>,
        tpu.vector_store %arg14[%swap3A_143], %exp3A_142 {strides = array<i32>} : memref<128xf32, #tpu.memory_space<vmem>>, vector<16xf32>,
        %swap3A_145 = arith.constant 80 : index
        %swap3A_146 = tpu.vector_load %arg13[%swap3A_145] {strides = array<i32>} : memref<128xi32, #tpu.memory_space<vmem>>, vector<16xi32>,
        tpu.vector_store %arg13[%swap3A_145], %get3A_134 {strides = array<i32>} : memref<128xi32, #tpu.memory_space<vmem>>, vector<16xi32>,
        %swap3A_147 = arith.index_cast %add3A_130 : i32 to index
        %swap3A_148 = tpu.vector_load %arg15[%swap3A_147] {strides = array<i32>} : memref<1280xf32, #tpu.memory_space<vmem>>, vector<16xf32>,
        tpu.vector_store %arg15[%swap3A_147], %exp3A_142 {strides = array<i32>} : memref<1280xf32, #tpu.memory_space<vmem>>, vector<16xf32>,
        %mul3A_149 = arith.constant 128 : i32
        %mul3A_150 = arith.muli %scan3A_21, %mul3A_149 : i32
        %add3A_151 = arith.constant 96 : i32
        %add3A_152 = arith.addi %mul3A_150, %add3A_151 : i32
        %get3A_153 = arith.index_cast %add3A_152 : i32 to index
        %get3A_154 = tpu.vector_load %arg11[%get3A_153] {strides = array<i32>} : memref<1280xi32, #tpu.memory_space<vmem>>, vector<16xi32>,
        %get3A_155 = arith.index_cast %add3A_152 : i32 to index
        %get3A_156 = tpu.vector_load %arg12[%get3A_155] {strides = array<i32>} : memref<1280xi32, #tpu.memory_space<vmem>>, vector<16xi32>,
        %gather3A_157 = tpu.vector_load_idx %arg9[%get3A_154] : memref<50000xf32, #tpu.memory_space<vmem>>[vector<16xi32>], vector<16xf32>,
        %gather3A_158 = tpu.vector_load_idx %arg10[%get3A_156] : memref<50000xf32, #tpu.memory_space<vmem>>[vector<16xi32>], vector<16xf32>,
        %add3A_159 = arith.addf %gather3A_157, %gather3A_158 : vector<16xf32>
        %mul3A_160 = arith.constant 2.000000e-01 : f32
        %mul3A_161 = vector.broadcast %mul3A_160 : f32 to vector<16xf32>
        %mul3A_162 = arith.mulf %mul3A_161, %add3A_159 : vector<16xf32>
        %max3A_163 = arith.maximumf %add3A_159, %mul3A_162 : vector<16xf32>
        %exp3A_164 = math.exp %max3A_163 : vector<16xf32>
        %swap3A_165 = arith.constant 96 : index
        %swap3A_166 = tpu.vector_load %arg14[%swap3A_165] {strides = array<i32>} : memref<128xf32, #tpu.memory_space<vmem>>, vector<16xf32>,
        tpu.vector_store %arg14[%swap3A_165], %exp3A_164 {strides = array<i32>} : memref<128xf32, #tpu.memory_space<vmem>>, vector<16xf32>,
        %swap3A_167 = arith.constant 96 : index
        %swap3A_168 = tpu.vector_load %arg13[%swap3A_167] {strides = array<i32>} : memref<128xi32, #tpu.memory_space<vmem>>, vector<16xi32>,
        tpu.vector_store %arg13[%swap3A_167], %get3A_156 {strides = array<i32>} : memref<128xi32, #tpu.memory_space<vmem>>, vector<16xi32>,
        %swap3A_169 = arith.index_cast %add3A_152 : i32 to index
        %swap3A_170 = tpu.vector_load %arg15[%swap3A_169] {strides = array<i32>} : memref<1280xf32, #tpu.memory_space<vmem>>, vector<16xf32>,
        tpu.vector_store %arg15[%swap3A_169], %exp3A_164 {strides = array<i32>} : memref<1280xf32, #tpu.memory_space<vmem>>, vector<16xf32>,
        %mul3A_171 = arith.constant 128 : i32
        %mul3A_172 = arith.muli %scan3A_21, %mul3A_171 : i32
        %add3A_173 = arith.constant 112 : i32
        %add3A_174 = arith.addi %mul3A_172, %add3A_173 : i32
        %get3A_175 = arith.index_cast %add3A_174 : i32 to index
        %get3A_176 = tpu.vector_load %arg11[%get3A_175] {strides = array<i32>} : memref<1280xi32, #tpu.memory_space<vmem>>, vector<16xi32>,
        %get3A_177 = arith.index_cast %add3A_174 : i32 to index
        %get3A_178 = tpu.vector_load %arg12[%get3A_177] {strides = array<i32>} : memref<1280xi32, #tpu.memory_space<vmem>>, vector<16xi32>,
        %gather3A_179 = tpu.vector_load_idx %arg9[%get3A_176] : memref<50000xf32, #tpu.memory_space<vmem>>[vector<16xi32>], vector<16xf32>,
        %gather3A_180 = tpu.vector_load_idx %arg10[%get3A_178] : memref<50000xf32, #tpu.memory_space<vmem>>[vector<16xi32>], vector<16xf32>,
        %add3A_181 = arith.addf %gather3A_179, %gather3A_180 : vector<16xf32>
        %mul3A_182 = arith.constant 2.000000e-01 : f32
        %mul3A_183 = vector.broadcast %mul3A_182 : f32 to vector<16xf32>
        %mul3A_184 = arith.mulf %mul3A_183, %add3A_181 : vector<16xf32>
        %max3A_185 = arith.maximumf %add3A_181, %mul3A_184 : vector<16xf32>
        %exp3A_186 = math.exp %max3A_185 : vector<16xf32>
        %swap3A_187 = arith.constant 112 : index
        %swap3A_188 = tpu.vector_load %arg14[%swap3A_187] {strides = array<i32>} : memref<128xf32, #tpu.memory_space<vmem>>, vector<16xf32>,
        tpu.vector_store %arg14[%swap3A_187], %exp3A_186 {strides = array<i32>} : memref<128xf32, #tpu.memory_space<vmem>>, vector<16xf32>,
        %swap3A_189 = arith.constant 112 : index
        %swap3A_190 = tpu.vector_load %arg13[%swap3A_189] {strides = array<i32>} : memref<128xi32, #tpu.memory_space<vmem>>, vector<16xi32>,
        tpu.vector_store %arg13[%swap3A_189], %get3A_178 {strides = array<i32>} : memref<128xi32, #tpu.memory_space<vmem>>, vector<16xi32>,
        %swap3A_191 = arith.index_cast %add3A_174 : i32 to index
        %swap3A_192 = tpu.vector_load %arg15[%swap3A_191] {strides = array<i32>} : memref<1280xf32, #tpu.memory_space<vmem>>, vector<16xf32>,
        tpu.vector_store %arg15[%swap3A_191], %exp3A_186 {strides = array<i32>} : memref<1280xf32, #tpu.memory_space<vmem>>, vector<16xf32>,
        "tpu.region"() ({
          %run_scoped3A = tpu.sem_alloc : memref<!tpu.dma_semaphore, #tpu.memory_space<semaphore_mem>>
          %dma_start3A = arith.constant 0 : i32
          %dma_start3A_193 = tpu.memref_slice %arg16[%dma_start3A] : memref<51200xf32, #tpu.memory_space<vmem_shared>> -> memref<51200xf32, #tpu.memory_space<vmem_shared>>
          tpu.enqueue_indirect_dma source(%arg14 : memref<128xf32, #tpu.memory_space<vmem>>) target(%dma_start3A_193 : memref<51200xf32, #tpu.memory_space<vmem_shared>>) offsets(%arg13 : memref<128xi32, #tpu.memory_space<vmem>>) semaphore(%run_scoped3A : memref<!tpu.dma_semaphore, #tpu.memory_space<semaphore_mem>>) {add = true}
          %dma_wait3A = arith.constant 0 : i32
          %dma_wait3A_194 = tpu.memref_slice %arg16[%dma_wait3A] : memref<51200xf32, #tpu.memory_space<vmem_shared>> -> memref<51200xf32, #tpu.memory_space<vmem_shared>>
          tpu.wait_indirect_dma semaphore(%run_scoped3A : memref<!tpu.dma_semaphore, #tpu.memory_space<semaphore_mem>>) src(%arg14 : memref<128xf32, #tpu.memory_space<vmem>>) dst(%dma_wait3A_194 : memref<51200xf32, #tpu.memory_space<vmem_shared>>)
          tpu.yield
        }) : () -> ()
      }
      %scan3A_20 = arith.constant 10 : i32
      "tpu.region"() ({
        %run_scoped3A = tpu.sem_alloc : memref<!tpu.dma_semaphore, #tpu.memory_space<semaphore_mem>>
        %dma_start3A = tpu.memref_slice %arg7[%add3A_14] : memref<819200xf32, #tpu.memory_space<hbm>> -> memref<1280xf32, #tpu.memory_space<hbm>>
        %dma_start3A_21 = tpu.memref_slice %arg7[%add3A_14] : memref<819200xf32, #tpu.memory_space<hbm>> -> memref<1280xf32, #tpu.memory_space<hbm>>
        tpu.enqueue_dma source(%arg15 : memref<1280xf32, #tpu.memory_space<vmem>>) target(%dma_start3A_21 : memref<1280xf32, #tpu.memory_space<hbm>>) target_semaphore(%run_scoped3A : memref<!tpu.dma_semaphore, #tpu.memory_space<semaphore_mem>>)
        %dma_wait3A = tpu.memref_slice %arg7[%add3A_14] : memref<819200xf32, #tpu.memory_space<hbm>> -> memref<1280xf32, #tpu.memory_space<hbm>>
        %dma_wait3A_22 = tpu.memref_slice %arg7[%add3A_14] : memref<819200xf32, #tpu.memory_space<hbm>> -> memref<1280xf32, #tpu.memory_space<hbm>>
        tpu.wait_dma2 semaphore(%run_scoped3A : memref<!tpu.dma_semaphore, #tpu.memory_space<semaphore_mem>>) src(%arg15 : memref<1280xf32, #tpu.memory_space<vmem>>) dst(%dma_wait3A_22 : memref<1280xf32, #tpu.memory_space<hbm>>)
        tpu.yield
      }) : () -> ()
    }
    %scan3A_9 = arith.constant 20 : i32
    %barrier3A_10 = arith.constant 0 : index
    tpu.barrier barrier_id(%barrier3A_10)
    "tpu.region"() ({
      %run_scoped3A = tpu.sem_alloc : memref<!tpu.dma_semaphore, #tpu.memory_space<semaphore_mem>>
      %dma_start3A = tpu.memref_slice %arg8[%arg0, %mul3A_2] : memref<2x51200xf32, #tpu.memory_space<hbm>> -> memref<1x3200xf32, #tpu.memory_space<hbm>>
      %dma_start3A_11 = tpu.memref_squeeze %dma_start3A : memref<1x3200xf32, #tpu.memory_space<hbm>> -> memref<3200xf32, #tpu.memory_space<hbm>>
      %dma_start3A_12 = tpu.memref_slice %arg16[%mul3A_2] : memref<51200xf32, #tpu.memory_space<vmem_shared>> -> memref<3200xf32, #tpu.memory_space<vmem_shared>>
      tpu.enqueue_dma source(%dma_start3A_12 : memref<3200xf32, #tpu.memory_space<vmem_shared>>) target(%dma_start3A_11 : memref<3200xf32, #tpu.memory_space<hbm>>) target_semaphore(%run_scoped3A : memref<!tpu.dma_semaphore, #tpu.memory_space<semaphore_mem>>)
      %dma_wait3A = tpu.memref_slice %arg8[%arg0, %mul3A_2] : memref<2x51200xf32, #tpu.memory_space<hbm>> -> memref<1x3200xf32, #tpu.memory_space<hbm>>
      %dma_wait3A_13 = tpu.memref_squeeze %dma_wait3A : memref<1x3200xf32, #tpu.memory_space<hbm>> -> memref<3200xf32, #tpu.memory_space<hbm>>
      %dma_wait3A_14 = tpu.memref_slice %arg16[%mul3A_2] : memref<51200xf32, #tpu.memory_space<vmem_shared>> -> memref<3200xf32, #tpu.memory_space<vmem_shared>>
      tpu.wait_dma2 semaphore(%run_scoped3A : memref<!tpu.dma_semaphore, #tpu.memory_space<semaphore_mem>>) src(%dma_wait3A_14 : memref<3200xf32, #tpu.memory_space<vmem_shared>>) dst(%dma_wait3A_13 : memref<3200xf32, #tpu.memory_space<hbm>>)
      tpu.yield
    }) : () -> ()
    return
  }
}

#map = affine_map<(d0, d1) -> (0)>
#map1 = affine_map<(d0, d1) -> (0, 0)>
#map2 = affine_map<(d0, d1) -> (0, 0, 0)>
module attributes {stable_mosaic.version = 14 : i64} {
  func.func @_sc_acc_body(%arg0: i32, %arg1: i32, %arg2: memref<819200xi32, #tpu.memory_space<hbm>>, %arg3: memref<819200xi32, #tpu.memory_space<hbm>>, %arg4: memref<819200xf32, #tpu.memory_space<hbm>>, %arg5: memref<25000x128xf32, #tpu.memory_space<hbm>>, %arg6: memref<1600x64xf32, #tpu.memory_space<hbm>>, %arg7: memref<2x25600x64xf32, #tpu.memory_space<hbm>>, %arg8: memref<128xi32, #tpu.memory_space<vmem>>, %arg9: memref<128xi32, #tpu.memory_space<vmem>>, %arg10: memref<128xi32, #tpu.memory_space<vmem>>, %arg11: memref<128xi32, #tpu.memory_space<vmem>>, %arg12: memref<128xi32, #tpu.memory_space<vmem>>, %arg13: memref<128xf32, #tpu.memory_space<vmem>>, %arg14: memref<128x128xf32, #tpu.memory_space<vmem>>, %arg15: memref<128x64xf32, #tpu.memory_space<vmem>>, %arg16: memref<25600x64xf32, #tpu.memory_space<vmem_shared>>, %arg17: memref<!tpu.dma_semaphore, #tpu.memory_space<semaphore_mem>>) attributes {dimension_semantics = [#tpu.dimension_semantics<core_parallel>, #tpu.dimension_semantics<subcore_parallel>], iteration_bounds = array<i64: 2, 16>, scalar_prefetch = 0 : i64, scratch_operands = 10 : i64, tpu.core_type = #tpu.core_type<sc_vector_subcore>, window_params = [{transform_indices = #map}, {transform_indices = #map}, {transform_indices = #map}, {transform_indices = #map1}, {transform_indices = #map1}, {transform_indices = #map2}]} {
    %mul3A = arith.constant 1600 : i32
    %mul3A_0 = arith.muli %arg1, %mul3A : i32
    "tpu.region"() ({
      %run_scoped3A = tpu.sem_alloc : memref<!tpu.dma_semaphore, #tpu.memory_space<semaphore_mem>>
      %dma_start3A = arith.constant 0 : i32
      %dma_start3A_11 = tpu.memref_slice %arg16[%mul3A_0, %dma_start3A] : memref<25600x64xf32, #tpu.memory_space<vmem_shared>> -> memref<1600x64xf32, #tpu.memory_space<vmem_shared>>
      tpu.enqueue_dma source(%arg6 : memref<1600x64xf32, #tpu.memory_space<hbm>>) target(%dma_start3A_11 : memref<1600x64xf32, #tpu.memory_space<vmem_shared>>) target_semaphore(%run_scoped3A : memref<!tpu.dma_semaphore, #tpu.memory_space<semaphore_mem>>)
      %dma_wait3A = arith.constant 0 : i32
      %dma_wait3A_12 = tpu.memref_slice %arg16[%mul3A_0, %dma_wait3A] : memref<25600x64xf32, #tpu.memory_space<vmem_shared>> -> memref<1600x64xf32, #tpu.memory_space<vmem_shared>>
      tpu.wait_dma2 semaphore(%run_scoped3A : memref<!tpu.dma_semaphore, #tpu.memory_space<semaphore_mem>>) src(%arg6 : memref<1600x64xf32, #tpu.memory_space<hbm>>) dst(%dma_wait3A_12 : memref<1600x64xf32, #tpu.memory_space<vmem_shared>>)
      tpu.yield
    }) : () -> ()
    %barrier3A = arith.constant 0 : index
    tpu.barrier barrier_id(%barrier3A)
    %mul3A_1 = arith.constant 51200 : i32
    %mul3A_2 = arith.muli %arg1, %mul3A_1 : i32
    %mul3A_3 = arith.constant 25000 : i32
    %mul3A_4 = arith.muli %arg0, %mul3A_3 : i32
    %scan3A = arith.constant 0 : i32
    %scan3A_5 = arith.constant 0 : i32
    %scan3A_6 = arith.constant 400 : i32
    %scan3A_7 = arith.addi %scan3A_5, %scan3A_6 : i32
    %scan3A_8 = arith.constant 1 : i32
    scf.for %scan3A_11 = %scan3A_5 to %scan3A_7 step %scan3A_8  : i32 {
      %mul3A_12 = arith.constant 128 : i32
      %mul3A_13 = arith.muli %scan3A_11, %mul3A_12 : i32
      %add3A = arith.addi %mul3A_2, %mul3A_13 : i32
      "tpu.region"() ({
        %run_scoped3A = tpu.sem_alloc : memref<!tpu.dma_semaphore, #tpu.memory_space<semaphore_mem>>
        %dma_start3A_238 = tpu.memref_slice %arg2[%add3A] : memref<819200xi32, #tpu.memory_space<hbm>> -> memref<128xi32, #tpu.memory_space<hbm>>
        %dma_start3A_239 = tpu.memref_slice %arg2[%add3A] : memref<819200xi32, #tpu.memory_space<hbm>> -> memref<128xi32, #tpu.memory_space<hbm>>
        tpu.enqueue_dma source(%dma_start3A_239 : memref<128xi32, #tpu.memory_space<hbm>>) target(%arg8 : memref<128xi32, #tpu.memory_space<vmem>>) target_semaphore(%run_scoped3A : memref<!tpu.dma_semaphore, #tpu.memory_space<semaphore_mem>>)
        %dma_wait3A_240 = tpu.memref_slice %arg2[%add3A] : memref<819200xi32, #tpu.memory_space<hbm>> -> memref<128xi32, #tpu.memory_space<hbm>>
        %dma_wait3A_241 = tpu.memref_slice %arg2[%add3A] : memref<819200xi32, #tpu.memory_space<hbm>> -> memref<128xi32, #tpu.memory_space<hbm>>
        tpu.wait_dma2 semaphore(%run_scoped3A : memref<!tpu.dma_semaphore, #tpu.memory_space<semaphore_mem>>) src(%dma_wait3A_241 : memref<128xi32, #tpu.memory_space<hbm>>) dst(%arg8 : memref<128xi32, #tpu.memory_space<vmem>>)
        tpu.yield
      }) : () -> ()
      "tpu.region"() ({
        %run_scoped3A = tpu.sem_alloc : memref<!tpu.dma_semaphore, #tpu.memory_space<semaphore_mem>>
        %dma_start3A_238 = tpu.memref_slice %arg3[%add3A] : memref<819200xi32, #tpu.memory_space<hbm>> -> memref<128xi32, #tpu.memory_space<hbm>>
        %dma_start3A_239 = tpu.memref_slice %arg3[%add3A] : memref<819200xi32, #tpu.memory_space<hbm>> -> memref<128xi32, #tpu.memory_space<hbm>>
        tpu.enqueue_dma source(%dma_start3A_239 : memref<128xi32, #tpu.memory_space<hbm>>) target(%arg11 : memref<128xi32, #tpu.memory_space<vmem>>) target_semaphore(%run_scoped3A : memref<!tpu.dma_semaphore, #tpu.memory_space<semaphore_mem>>)
        %dma_wait3A_240 = tpu.memref_slice %arg3[%add3A] : memref<819200xi32, #tpu.memory_space<hbm>> -> memref<128xi32, #tpu.memory_space<hbm>>
        %dma_wait3A_241 = tpu.memref_slice %arg3[%add3A] : memref<819200xi32, #tpu.memory_space<hbm>> -> memref<128xi32, #tpu.memory_space<hbm>>
        tpu.wait_dma2 semaphore(%run_scoped3A : memref<!tpu.dma_semaphore, #tpu.memory_space<semaphore_mem>>) src(%dma_wait3A_241 : memref<128xi32, #tpu.memory_space<hbm>>) dst(%arg11 : memref<128xi32, #tpu.memory_space<vmem>>)
        tpu.yield
      }) : () -> ()
      "tpu.region"() ({
        %run_scoped3A = tpu.sem_alloc : memref<!tpu.dma_semaphore, #tpu.memory_space<semaphore_mem>>
        %dma_start3A_238 = tpu.memref_slice %arg4[%add3A] : memref<819200xf32, #tpu.memory_space<hbm>> -> memref<128xf32, #tpu.memory_space<hbm>>
        %dma_start3A_239 = tpu.memref_slice %arg4[%add3A] : memref<819200xf32, #tpu.memory_space<hbm>> -> memref<128xf32, #tpu.memory_space<hbm>>
        tpu.enqueue_dma source(%dma_start3A_239 : memref<128xf32, #tpu.memory_space<hbm>>) target(%arg13 : memref<128xf32, #tpu.memory_space<vmem>>) target_semaphore(%run_scoped3A : memref<!tpu.dma_semaphore, #tpu.memory_space<semaphore_mem>>)
        %dma_wait3A_240 = tpu.memref_slice %arg4[%add3A] : memref<819200xf32, #tpu.memory_space<hbm>> -> memref<128xf32, #tpu.memory_space<hbm>>
        %dma_wait3A_241 = tpu.memref_slice %arg4[%add3A] : memref<819200xf32, #tpu.memory_space<hbm>> -> memref<128xf32, #tpu.memory_space<hbm>>
        tpu.wait_dma2 semaphore(%run_scoped3A : memref<!tpu.dma_semaphore, #tpu.memory_space<semaphore_mem>>) src(%dma_wait3A_241 : memref<128xf32, #tpu.memory_space<hbm>>) dst(%arg13 : memref<128xf32, #tpu.memory_space<vmem>>)
        tpu.yield
      }) : () -> ()
      %get3A = arith.constant 0 : index
      %get3A_14 = tpu.vector_load %arg8[%get3A] {strides = array<i32>} : memref<128xi32, #tpu.memory_space<vmem>>, vector<16xi32>,
      %shift_right_arithmetic3A = arith.constant 1 : i32
      %shift_right_arithmetic3A_15 = vector.broadcast %shift_right_arithmetic3A : i32 to vector<16xi32>
      %shift_right_arithmetic3A_16 = arith.shrsi %get3A_14, %shift_right_arithmetic3A_15 : vector<16xi32>
      %swap3A = arith.constant 0 : index
      %swap3A_17 = tpu.vector_load %arg9[%swap3A] {strides = array<i32>} : memref<128xi32, #tpu.memory_space<vmem>>, vector<16xi32>,
      tpu.vector_store %arg9[%swap3A], %shift_right_arithmetic3A_16 {strides = array<i32>} : memref<128xi32, #tpu.memory_space<vmem>>, vector<16xi32>,
      %and3A = arith.constant 1 : i32
      %and3A_18 = vector.broadcast %and3A : i32 to vector<16xi32>
      %and3A_19 = arith.andi %get3A_14, %and3A_18 : vector<16xi32>
      %swap3A_20 = arith.constant 0 : index
      %swap3A_21 = tpu.vector_load %arg10[%swap3A_20] {strides = array<i32>} : memref<128xi32, #tpu.memory_space<vmem>>, vector<16xi32>,
      tpu.vector_store %arg10[%swap3A_20], %and3A_19 {strides = array<i32>} : memref<128xi32, #tpu.memory_space<vmem>>, vector<16xi32>,
      %get3A_22 = arith.constant 0 : index
      %get3A_23 = tpu.vector_load %arg11[%get3A_22] {strides = array<i32>} : memref<128xi32, #tpu.memory_space<vmem>>, vector<16xi32>,
      %sub3A = vector.broadcast %mul3A_4 : i32 to vector<16xi32>
      %sub3A_24 = arith.subi %get3A_23, %sub3A : vector<16xi32>
      %ge3A = arith.constant 0 : i32
      %ge3A_25 = vector.broadcast %ge3A : i32 to vector<16xi32>
      %ge3A_26 = arith.cmpi sge, %sub3A_24, %ge3A_25 : vector<16xi32>
      %lt3A = arith.constant 25000 : i32
      %lt3A_27 = vector.broadcast %lt3A : i32 to vector<16xi32>
      %lt3A_28 = arith.cmpi slt, %sub3A_24, %lt3A_27 : vector<16xi32>
      %and3A_29 = arith.andi %ge3A_26, %lt3A_28 : vector<16xi1>
      %jit3A = arith.constant 25000 : i32
      %broadcast_in_dim3A = vector.broadcast %jit3A : i32 to vector<16xi32>
      %select_n3A = arith.select %and3A_29, %sub3A_24, %broadcast_in_dim3A : vector<16xi1>, vector<16xi32>
      %swap3A_30 = arith.constant 0 : index
      %swap3A_31 = tpu.vector_load %arg12[%swap3A_30] {strides = array<i32>} : memref<128xi32, #tpu.memory_space<vmem>>, vector<16xi32>,
      tpu.vector_store %arg12[%swap3A_30], %select_n3A {strides = array<i32>} : memref<128xi32, #tpu.memory_space<vmem>>, vector<16xi32>,
      %get3A_32 = arith.constant 16 : index
      %get3A_33 = tpu.vector_load %arg8[%get3A_32] {strides = array<i32>} : memref<128xi32, #tpu.memory_space<vmem>>, vector<16xi32>,
      %shift_right_arithmetic3A_34 = arith.constant 1 : i32
      %shift_right_arithmetic3A_35 = vector.broadcast %shift_right_arithmetic3A_34 : i32 to vector<16xi32>
      %shift_right_arithmetic3A_36 = arith.shrsi %get3A_33, %shift_right_arithmetic3A_35 : vector<16xi32>
      %swap3A_37 = arith.constant 16 : index
      %swap3A_38 = tpu.vector_load %arg9[%swap3A_37] {strides = array<i32>} : memref<128xi32, #tpu.memory_space<vmem>>, vector<16xi32>,
      tpu.vector_store %arg9[%swap3A_37], %shift_right_arithmetic3A_36 {strides = array<i32>} : memref<128xi32, #tpu.memory_space<vmem>>, vector<16xi32>,
      %and3A_39 = arith.constant 1 : i32
      %and3A_40 = vector.broadcast %and3A_39 : i32 to vector<16xi32>
      %and3A_41 = arith.andi %get3A_33, %and3A_40 : vector<16xi32>
      %swap3A_42 = arith.constant 16 : index
      %swap3A_43 = tpu.vector_load %arg10[%swap3A_42] {strides = array<i32>} : memref<128xi32, #tpu.memory_space<vmem>>, vector<16xi32>,
      tpu.vector_store %arg10[%swap3A_42], %and3A_41 {strides = array<i32>} : memref<128xi32, #tpu.memory_space<vmem>>, vector<16xi32>,
      %get3A_44 = arith.constant 16 : index
      %get3A_45 = tpu.vector_load %arg11[%get3A_44] {strides = array<i32>} : memref<128xi32, #tpu.memory_space<vmem>>, vector<16xi32>,
      %sub3A_46 = vector.broadcast %mul3A_4 : i32 to vector<16xi32>
      %sub3A_47 = arith.subi %get3A_45, %sub3A_46 : vector<16xi32>
      %ge3A_48 = arith.constant 0 : i32
      %ge3A_49 = vector.broadcast %ge3A_48 : i32 to vector<16xi32>
      %ge3A_50 = arith.cmpi sge, %sub3A_47, %ge3A_49 : vector<16xi32>
      %lt3A_51 = arith.constant 25000 : i32
      %lt3A_52 = vector.broadcast %lt3A_51 : i32 to vector<16xi32>
      %lt3A_53 = arith.cmpi slt, %sub3A_47, %lt3A_52 : vector<16xi32>
      %and3A_54 = arith.andi %ge3A_50, %lt3A_53 : vector<16xi1>
      %jit3A_55 = arith.constant 25000 : i32
      %broadcast_in_dim3A_56 = vector.broadcast %jit3A_55 : i32 to vector<16xi32>
      %select_n3A_57 = arith.select %and3A_54, %sub3A_47, %broadcast_in_dim3A_56 : vector<16xi1>, vector<16xi32>
      %swap3A_58 = arith.constant 16 : index
      %swap3A_59 = tpu.vector_load %arg12[%swap3A_58] {strides = array<i32>} : memref<128xi32, #tpu.memory_space<vmem>>, vector<16xi32>,
      tpu.vector_store %arg12[%swap3A_58], %select_n3A_57 {strides = array<i32>} : memref<128xi32, #tpu.memory_space<vmem>>, vector<16xi32>,
      %get3A_60 = arith.constant 32 : index
      %get3A_61 = tpu.vector_load %arg8[%get3A_60] {strides = array<i32>} : memref<128xi32, #tpu.memory_space<vmem>>, vector<16xi32>,
      %shift_right_arithmetic3A_62 = arith.constant 1 : i32
      %shift_right_arithmetic3A_63 = vector.broadcast %shift_right_arithmetic3A_62 : i32 to vector<16xi32>
      %shift_right_arithmetic3A_64 = arith.shrsi %get3A_61, %shift_right_arithmetic3A_63 : vector<16xi32>
      %swap3A_65 = arith.constant 32 : index
      %swap3A_66 = tpu.vector_load %arg9[%swap3A_65] {strides = array<i32>} : memref<128xi32, #tpu.memory_space<vmem>>, vector<16xi32>,
      tpu.vector_store %arg9[%swap3A_65], %shift_right_arithmetic3A_64 {strides = array<i32>} : memref<128xi32, #tpu.memory_space<vmem>>, vector<16xi32>,
      %and3A_67 = arith.constant 1 : i32
      %and3A_68 = vector.broadcast %and3A_67 : i32 to vector<16xi32>
      %and3A_69 = arith.andi %get3A_61, %and3A_68 : vector<16xi32>
      %swap3A_70 = arith.constant 32 : index
      %swap3A_71 = tpu.vector_load %arg10[%swap3A_70] {strides = array<i32>} : memref<128xi32, #tpu.memory_space<vmem>>, vector<16xi32>,
      tpu.vector_store %arg10[%swap3A_70], %and3A_69 {strides = array<i32>} : memref<128xi32, #tpu.memory_space<vmem>>, vector<16xi32>,
      %get3A_72 = arith.constant 32 : index
      %get3A_73 = tpu.vector_load %arg11[%get3A_72] {strides = array<i32>} : memref<128xi32, #tpu.memory_space<vmem>>, vector<16xi32>,
      %sub3A_74 = vector.broadcast %mul3A_4 : i32 to vector<16xi32>
      %sub3A_75 = arith.subi %get3A_73, %sub3A_74 : vector<16xi32>
      %ge3A_76 = arith.constant 0 : i32
      %ge3A_77 = vector.broadcast %ge3A_76 : i32 to vector<16xi32>
      %ge3A_78 = arith.cmpi sge, %sub3A_75, %ge3A_77 : vector<16xi32>
      %lt3A_79 = arith.constant 25000 : i32
      %lt3A_80 = vector.broadcast %lt3A_79 : i32 to vector<16xi32>
      %lt3A_81 = arith.cmpi slt, %sub3A_75, %lt3A_80 : vector<16xi32>
      %and3A_82 = arith.andi %ge3A_78, %lt3A_81 : vector<16xi1>
      %jit3A_83 = arith.constant 25000 : i32
      %broadcast_in_dim3A_84 = vector.broadcast %jit3A_83 : i32 to vector<16xi32>
      %select_n3A_85 = arith.select %and3A_82, %sub3A_75, %broadcast_in_dim3A_84 : vector<16xi1>, vector<16xi32>
      %swap3A_86 = arith.constant 32 : index
      %swap3A_87 = tpu.vector_load %arg12[%swap3A_86] {strides = array<i32>} : memref<128xi32, #tpu.memory_space<vmem>>, vector<16xi32>,
      tpu.vector_store %arg12[%swap3A_86], %select_n3A_85 {strides = array<i32>} : memref<128xi32, #tpu.memory_space<vmem>>, vector<16xi32>,
      %get3A_88 = arith.constant 48 : index
      %get3A_89 = tpu.vector_load %arg8[%get3A_88] {strides = array<i32>} : memref<128xi32, #tpu.memory_space<vmem>>, vector<16xi32>,
      %shift_right_arithmetic3A_90 = arith.constant 1 : i32
      %shift_right_arithmetic3A_91 = vector.broadcast %shift_right_arithmetic3A_90 : i32 to vector<16xi32>
      %shift_right_arithmetic3A_92 = arith.shrsi %get3A_89, %shift_right_arithmetic3A_91 : vector<16xi32>
      %swap3A_93 = arith.constant 48 : index
      %swap3A_94 = tpu.vector_load %arg9[%swap3A_93] {strides = array<i32>} : memref<128xi32, #tpu.memory_space<vmem>>, vector<16xi32>,
      tpu.vector_store %arg9[%swap3A_93], %shift_right_arithmetic3A_92 {strides = array<i32>} : memref<128xi32, #tpu.memory_space<vmem>>, vector<16xi32>,
      %and3A_95 = arith.constant 1 : i32
      %and3A_96 = vector.broadcast %and3A_95 : i32 to vector<16xi32>
      %and3A_97 = arith.andi %get3A_89, %and3A_96 : vector<16xi32>
      %swap3A_98 = arith.constant 48 : index
      %swap3A_99 = tpu.vector_load %arg10[%swap3A_98] {strides = array<i32>} : memref<128xi32, #tpu.memory_space<vmem>>, vector<16xi32>,
      tpu.vector_store %arg10[%swap3A_98], %and3A_97 {strides = array<i32>} : memref<128xi32, #tpu.memory_space<vmem>>, vector<16xi32>,
      %get3A_100 = arith.constant 48 : index
      %get3A_101 = tpu.vector_load %arg11[%get3A_100] {strides = array<i32>} : memref<128xi32, #tpu.memory_space<vmem>>, vector<16xi32>,
      %sub3A_102 = vector.broadcast %mul3A_4 : i32 to vector<16xi32>
      %sub3A_103 = arith.subi %get3A_101, %sub3A_102 : vector<16xi32>
      %ge3A_104 = arith.constant 0 : i32
      %ge3A_105 = vector.broadcast %ge3A_104 : i32 to vector<16xi32>
      %ge3A_106 = arith.cmpi sge, %sub3A_103, %ge3A_105 : vector<16xi32>
      %lt3A_107 = arith.constant 25000 : i32
      %lt3A_108 = vector.broadcast %lt3A_107 : i32 to vector<16xi32>
      %lt3A_109 = arith.cmpi slt, %sub3A_103, %lt3A_108 : vector<16xi32>
      %and3A_110 = arith.andi %ge3A_106, %lt3A_109 : vector<16xi1>
      %jit3A_111 = arith.constant 25000 : i32
      %broadcast_in_dim3A_112 = vector.broadcast %jit3A_111 : i32 to vector<16xi32>
      %select_n3A_113 = arith.select %and3A_110, %sub3A_103, %broadcast_in_dim3A_112 : vector<16xi1>, vector<16xi32>
      %swap3A_114 = arith.constant 48 : index
      %swap3A_115 = tpu.vector_load %arg12[%swap3A_114] {strides = array<i32>} : memref<128xi32, #tpu.memory_space<vmem>>, vector<16xi32>,
      tpu.vector_store %arg12[%swap3A_114], %select_n3A_113 {strides = array<i32>} : memref<128xi32, #tpu.memory_space<vmem>>, vector<16xi32>,
      %get3A_116 = arith.constant 64 : index
      %get3A_117 = tpu.vector_load %arg8[%get3A_116] {strides = array<i32>} : memref<128xi32, #tpu.memory_space<vmem>>, vector<16xi32>,
      %shift_right_arithmetic3A_118 = arith.constant 1 : i32
      %shift_right_arithmetic3A_119 = vector.broadcast %shift_right_arithmetic3A_118 : i32 to vector<16xi32>
      %shift_right_arithmetic3A_120 = arith.shrsi %get3A_117, %shift_right_arithmetic3A_119 : vector<16xi32>
      %swap3A_121 = arith.constant 64 : index
      %swap3A_122 = tpu.vector_load %arg9[%swap3A_121] {strides = array<i32>} : memref<128xi32, #tpu.memory_space<vmem>>, vector<16xi32>,
      tpu.vector_store %arg9[%swap3A_121], %shift_right_arithmetic3A_120 {strides = array<i32>} : memref<128xi32, #tpu.memory_space<vmem>>, vector<16xi32>,
      %and3A_123 = arith.constant 1 : i32
      %and3A_124 = vector.broadcast %and3A_123 : i32 to vector<16xi32>
      %and3A_125 = arith.andi %get3A_117, %and3A_124 : vector<16xi32>
      %swap3A_126 = arith.constant 64 : index
      %swap3A_127 = tpu.vector_load %arg10[%swap3A_126] {strides = array<i32>} : memref<128xi32, #tpu.memory_space<vmem>>, vector<16xi32>,
      tpu.vector_store %arg10[%swap3A_126], %and3A_125 {strides = array<i32>} : memref<128xi32, #tpu.memory_space<vmem>>, vector<16xi32>,
      %get3A_128 = arith.constant 64 : index
      %get3A_129 = tpu.vector_load %arg11[%get3A_128] {strides = array<i32>} : memref<128xi32, #tpu.memory_space<vmem>>, vector<16xi32>,
      %sub3A_130 = vector.broadcast %mul3A_4 : i32 to vector<16xi32>
      %sub3A_131 = arith.subi %get3A_129, %sub3A_130 : vector<16xi32>
      %ge3A_132 = arith.constant 0 : i32
      %ge3A_133 = vector.broadcast %ge3A_132 : i32 to vector<16xi32>
      %ge3A_134 = arith.cmpi sge, %sub3A_131, %ge3A_133 : vector<16xi32>
      %lt3A_135 = arith.constant 25000 : i32
      %lt3A_136 = vector.broadcast %lt3A_135 : i32 to vector<16xi32>
      %lt3A_137 = arith.cmpi slt, %sub3A_131, %lt3A_136 : vector<16xi32>
      %and3A_138 = arith.andi %ge3A_134, %lt3A_137 : vector<16xi1>
      %jit3A_139 = arith.constant 25000 : i32
      %broadcast_in_dim3A_140 = vector.broadcast %jit3A_139 : i32 to vector<16xi32>
      %select_n3A_141 = arith.select %and3A_138, %sub3A_131, %broadcast_in_dim3A_140 : vector<16xi1>, vector<16xi32>
      %swap3A_142 = arith.constant 64 : index
      %swap3A_143 = tpu.vector_load %arg12[%swap3A_142] {strides = array<i32>} : memref<128xi32, #tpu.memory_space<vmem>>, vector<16xi32>,
      tpu.vector_store %arg12[%swap3A_142], %select_n3A_141 {strides = array<i32>} : memref<128xi32, #tpu.memory_space<vmem>>, vector<16xi32>,
      %get3A_144 = arith.constant 80 : index
      %get3A_145 = tpu.vector_load %arg8[%get3A_144] {strides = array<i32>} : memref<128xi32, #tpu.memory_space<vmem>>, vector<16xi32>,
      %shift_right_arithmetic3A_146 = arith.constant 1 : i32
      %shift_right_arithmetic3A_147 = vector.broadcast %shift_right_arithmetic3A_146 : i32 to vector<16xi32>
      %shift_right_arithmetic3A_148 = arith.shrsi %get3A_145, %shift_right_arithmetic3A_147 : vector<16xi32>
      %swap3A_149 = arith.constant 80 : index
      %swap3A_150 = tpu.vector_load %arg9[%swap3A_149] {strides = array<i32>} : memref<128xi32, #tpu.memory_space<vmem>>, vector<16xi32>,
      tpu.vector_store %arg9[%swap3A_149], %shift_right_arithmetic3A_148 {strides = array<i32>} : memref<128xi32, #tpu.memory_space<vmem>>, vector<16xi32>,
      %and3A_151 = arith.constant 1 : i32
      %and3A_152 = vector.broadcast %and3A_151 : i32 to vector<16xi32>
      %and3A_153 = arith.andi %get3A_145, %and3A_152 : vector<16xi32>
      %swap3A_154 = arith.constant 80 : index
      %swap3A_155 = tpu.vector_load %arg10[%swap3A_154] {strides = array<i32>} : memref<128xi32, #tpu.memory_space<vmem>>, vector<16xi32>,
      tpu.vector_store %arg10[%swap3A_154], %and3A_153 {strides = array<i32>} : memref<128xi32, #tpu.memory_space<vmem>>, vector<16xi32>,
      %get3A_156 = arith.constant 80 : index
      %get3A_157 = tpu.vector_load %arg11[%get3A_156] {strides = array<i32>} : memref<128xi32, #tpu.memory_space<vmem>>, vector<16xi32>,
      %sub3A_158 = vector.broadcast %mul3A_4 : i32 to vector<16xi32>
      %sub3A_159 = arith.subi %get3A_157, %sub3A_158 : vector<16xi32>
      %ge3A_160 = arith.constant 0 : i32
      %ge3A_161 = vector.broadcast %ge3A_160 : i32 to vector<16xi32>
      %ge3A_162 = arith.cmpi sge, %sub3A_159, %ge3A_161 : vector<16xi32>
      %lt3A_163 = arith.constant 25000 : i32
      %lt3A_164 = vector.broadcast %lt3A_163 : i32 to vector<16xi32>
      %lt3A_165 = arith.cmpi slt, %sub3A_159, %lt3A_164 : vector<16xi32>
      %and3A_166 = arith.andi %ge3A_162, %lt3A_165 : vector<16xi1>
      %jit3A_167 = arith.constant 25000 : i32
      %broadcast_in_dim3A_168 = vector.broadcast %jit3A_167 : i32 to vector<16xi32>
      %select_n3A_169 = arith.select %and3A_166, %sub3A_159, %broadcast_in_dim3A_168 : vector<16xi1>, vector<16xi32>
      %swap3A_170 = arith.constant 80 : index
      %swap3A_171 = tpu.vector_load %arg12[%swap3A_170] {strides = array<i32>} : memref<128xi32, #tpu.memory_space<vmem>>, vector<16xi32>,
      tpu.vector_store %arg12[%swap3A_170], %select_n3A_169 {strides = array<i32>} : memref<128xi32, #tpu.memory_space<vmem>>, vector<16xi32>,
      %get3A_172 = arith.constant 96 : index
      %get3A_173 = tpu.vector_load %arg8[%get3A_172] {strides = array<i32>} : memref<128xi32, #tpu.memory_space<vmem>>, vector<16xi32>,
      %shift_right_arithmetic3A_174 = arith.constant 1 : i32
      %shift_right_arithmetic3A_175 = vector.broadcast %shift_right_arithmetic3A_174 : i32 to vector<16xi32>
      %shift_right_arithmetic3A_176 = arith.shrsi %get3A_173, %shift_right_arithmetic3A_175 : vector<16xi32>
      %swap3A_177 = arith.constant 96 : index
      %swap3A_178 = tpu.vector_load %arg9[%swap3A_177] {strides = array<i32>} : memref<128xi32, #tpu.memory_space<vmem>>, vector<16xi32>,
      tpu.vector_store %arg9[%swap3A_177], %shift_right_arithmetic3A_176 {strides = array<i32>} : memref<128xi32, #tpu.memory_space<vmem>>, vector<16xi32>,
      %and3A_179 = arith.constant 1 : i32
      %and3A_180 = vector.broadcast %and3A_179 : i32 to vector<16xi32>
      %and3A_181 = arith.andi %get3A_173, %and3A_180 : vector<16xi32>
      %swap3A_182 = arith.constant 96 : index
      %swap3A_183 = tpu.vector_load %arg10[%swap3A_182] {strides = array<i32>} : memref<128xi32, #tpu.memory_space<vmem>>, vector<16xi32>,
      tpu.vector_store %arg10[%swap3A_182], %and3A_181 {strides = array<i32>} : memref<128xi32, #tpu.memory_space<vmem>>, vector<16xi32>,
      %get3A_184 = arith.constant 96 : index
      %get3A_185 = tpu.vector_load %arg11[%get3A_184] {strides = array<i32>} : memref<128xi32, #tpu.memory_space<vmem>>, vector<16xi32>,
      %sub3A_186 = vector.broadcast %mul3A_4 : i32 to vector<16xi32>
      %sub3A_187 = arith.subi %get3A_185, %sub3A_186 : vector<16xi32>
      %ge3A_188 = arith.constant 0 : i32
      %ge3A_189 = vector.broadcast %ge3A_188 : i32 to vector<16xi32>
      %ge3A_190 = arith.cmpi sge, %sub3A_187, %ge3A_189 : vector<16xi32>
      %lt3A_191 = arith.constant 25000 : i32
      %lt3A_192 = vector.broadcast %lt3A_191 : i32 to vector<16xi32>
      %lt3A_193 = arith.cmpi slt, %sub3A_187, %lt3A_192 : vector<16xi32>
      %and3A_194 = arith.andi %ge3A_190, %lt3A_193 : vector<16xi1>
      %jit3A_195 = arith.constant 25000 : i32
      %broadcast_in_dim3A_196 = vector.broadcast %jit3A_195 : i32 to vector<16xi32>
      %select_n3A_197 = arith.select %and3A_194, %sub3A_187, %broadcast_in_dim3A_196 : vector<16xi1>, vector<16xi32>
      %swap3A_198 = arith.constant 96 : index
      %swap3A_199 = tpu.vector_load %arg12[%swap3A_198] {strides = array<i32>} : memref<128xi32, #tpu.memory_space<vmem>>, vector<16xi32>,
      tpu.vector_store %arg12[%swap3A_198], %select_n3A_197 {strides = array<i32>} : memref<128xi32, #tpu.memory_space<vmem>>, vector<16xi32>,
      %get3A_200 = arith.constant 112 : index
      %get3A_201 = tpu.vector_load %arg8[%get3A_200] {strides = array<i32>} : memref<128xi32, #tpu.memory_space<vmem>>, vector<16xi32>,
      %shift_right_arithmetic3A_202 = arith.constant 1 : i32
      %shift_right_arithmetic3A_203 = vector.broadcast %shift_right_arithmetic3A_202 : i32 to vector<16xi32>
      %shift_right_arithmetic3A_204 = arith.shrsi %get3A_201, %shift_right_arithmetic3A_203 : vector<16xi32>
      %swap3A_205 = arith.constant 112 : index
      %swap3A_206 = tpu.vector_load %arg9[%swap3A_205] {strides = array<i32>} : memref<128xi32, #tpu.memory_space<vmem>>, vector<16xi32>,
      tpu.vector_store %arg9[%swap3A_205], %shift_right_arithmetic3A_204 {strides = array<i32>} : memref<128xi32, #tpu.memory_space<vmem>>, vector<16xi32>,
      %and3A_207 = arith.constant 1 : i32
      %and3A_208 = vector.broadcast %and3A_207 : i32 to vector<16xi32>
      %and3A_209 = arith.andi %get3A_201, %and3A_208 : vector<16xi32>
      %swap3A_210 = arith.constant 112 : index
      %swap3A_211 = tpu.vector_load %arg10[%swap3A_210] {strides = array<i32>} : memref<128xi32, #tpu.memory_space<vmem>>, vector<16xi32>,
      tpu.vector_store %arg10[%swap3A_210], %and3A_209 {strides = array<i32>} : memref<128xi32, #tpu.memory_space<vmem>>, vector<16xi32>,
      %get3A_212 = arith.constant 112 : index
      %get3A_213 = tpu.vector_load %arg11[%get3A_212] {strides = array<i32>} : memref<128xi32, #tpu.memory_space<vmem>>, vector<16xi32>,
      %sub3A_214 = vector.broadcast %mul3A_4 : i32 to vector<16xi32>
      %sub3A_215 = arith.subi %get3A_213, %sub3A_214 : vector<16xi32>
      %ge3A_216 = arith.constant 0 : i32
      %ge3A_217 = vector.broadcast %ge3A_216 : i32 to vector<16xi32>
      %ge3A_218 = arith.cmpi sge, %sub3A_215, %ge3A_217 : vector<16xi32>
      %lt3A_219 = arith.constant 25000 : i32
      %lt3A_220 = vector.broadcast %lt3A_219 : i32 to vector<16xi32>
      %lt3A_221 = arith.cmpi slt, %sub3A_215, %lt3A_220 : vector<16xi32>
      %and3A_222 = arith.andi %ge3A_218, %lt3A_221 : vector<16xi1>
      %jit3A_223 = arith.constant 25000 : i32
      %broadcast_in_dim3A_224 = vector.broadcast %jit3A_223 : i32 to vector<16xi32>
      %select_n3A_225 = arith.select %and3A_222, %sub3A_215, %broadcast_in_dim3A_224 : vector<16xi1>, vector<16xi32>
      %swap3A_226 = arith.constant 112 : index
      %swap3A_227 = tpu.vector_load %arg12[%swap3A_226] {strides = array<i32>} : memref<128xi32, #tpu.memory_space<vmem>>, vector<16xi32>,
      tpu.vector_store %arg12[%swap3A_226], %select_n3A_225 {strides = array<i32>} : memref<128xi32, #tpu.memory_space<vmem>>, vector<16xi32>,
      %dma_start3A = arith.constant 0 : i32
      %dma_start3A_228 = arith.constant 0 : i32
      %dma_start3A_229 = tpu.memref_slice %arg5[%dma_start3A, %dma_start3A_228] : memref<25000x128xf32, #tpu.memory_space<hbm>> -> memref<25000x128xf32, #tpu.memory_space<hbm>>
      tpu.enqueue_indirect_dma source(%dma_start3A_229 : memref<25000x128xf32, #tpu.memory_space<hbm>>) target(%arg14 : memref<128x128xf32, #tpu.memory_space<vmem>>) offsets(%arg9 : memref<128xi32, #tpu.memory_space<vmem>>) semaphore(%arg17 : memref<!tpu.dma_semaphore, #tpu.memory_space<semaphore_mem>>)
      %dma_wait3A = arith.constant 0 : i32
      %dma_wait3A_230 = arith.constant 0 : i32
      %dma_wait3A_231 = tpu.memref_slice %arg5[%dma_wait3A, %dma_wait3A_230] : memref<25000x128xf32, #tpu.memory_space<hbm>> -> memref<25000x128xf32, #tpu.memory_space<hbm>>
      tpu.wait_indirect_dma semaphore(%arg17 : memref<!tpu.dma_semaphore, #tpu.memory_space<semaphore_mem>>) src(%dma_wait3A_231 : memref<25000x128xf32, #tpu.memory_space<hbm>>) dst(%arg14 : memref<128x128xf32, #tpu.memory_space<vmem>>)
      %scan3A_232 = arith.constant 0 : i32
      %scan3A_233 = arith.constant 0 : i32
      %scan3A_234 = arith.constant 128 : i32
      %scan3A_235 = arith.addi %scan3A_233, %scan3A_234 : i32
      %scan3A_236 = arith.constant 1 : i32
      scf.for %scan3A_238 = %scan3A_233 to %scan3A_235 step %scan3A_236  : i32 {
        %broadcast_in_dim3A_239 = vector.broadcast %scan3A_238 : i32 to vector<16xi32>
        %gather3A = tpu.vector_load_idx %arg13[%broadcast_in_dim3A_239] : memref<128xf32, #tpu.memory_space<vmem>>[vector<16xi32>], vector<16xf32>,
        %gather3A_240 = tpu.vector_load_idx %arg10[%broadcast_in_dim3A_239] : memref<128xi32, #tpu.memory_space<vmem>>[vector<16xi32>], vector<16xi32>,
        %eq3A = arith.constant 1 : i32
        %eq3A_241 = vector.broadcast %eq3A : i32 to vector<16xi32>
        %eq3A_242 = arith.cmpi eq, %gather3A_240, %eq3A_241 : vector<16xi32>
        %get3A_243 = arith.index_cast %scan3A_238 : i32 to index
        %get3A_244 = arith.constant 0 : index
        %get3A_245 = tpu.vector_load %arg14[%get3A_243, %get3A_244] {strides = array<i32>} : memref<128x128xf32, #tpu.memory_space<vmem>>, vector<16xf32>,
        %get3A_246 = arith.index_cast %scan3A_238 : i32 to index
        %get3A_247 = arith.constant 64 : index
        %get3A_248 = tpu.vector_load %arg14[%get3A_246, %get3A_247] {strides = array<i32>} : memref<128x128xf32, #tpu.memory_space<vmem>>, vector<16xf32>,
        %select_n3A_249 = arith.select %eq3A_242, %get3A_248, %get3A_245 : vector<16xi1>, vector<16xf32>
        %mul3A_250 = arith.mulf %select_n3A_249, %gather3A : vector<16xf32>
        %swap3A_251 = arith.index_cast %scan3A_238 : i32 to index
        %swap3A_252 = arith.constant 0 : index
        %swap3A_253 = tpu.vector_load %arg15[%swap3A_251, %swap3A_252] {strides = array<i32>} : memref<128x64xf32, #tpu.memory_space<vmem>>, vector<16xf32>,
        tpu.vector_store %arg15[%swap3A_251, %swap3A_252], %mul3A_250 {strides = array<i32>} : memref<128x64xf32, #tpu.memory_space<vmem>>, vector<16xf32>,
        %get3A_254 = arith.index_cast %scan3A_238 : i32 to index
        %get3A_255 = arith.constant 16 : index
        %get3A_256 = tpu.vector_load %arg14[%get3A_254, %get3A_255] {strides = array<i32>} : memref<128x128xf32, #tpu.memory_space<vmem>>, vector<16xf32>,
        %get3A_257 = arith.index_cast %scan3A_238 : i32 to index
        %get3A_258 = arith.constant 80 : index
        %get3A_259 = tpu.vector_load %arg14[%get3A_257, %get3A_258] {strides = array<i32>} : memref<128x128xf32, #tpu.memory_space<vmem>>, vector<16xf32>,
        %select_n3A_260 = arith.select %eq3A_242, %get3A_259, %get3A_256 : vector<16xi1>, vector<16xf32>
        %mul3A_261 = arith.mulf %select_n3A_260, %gather3A : vector<16xf32>
        %swap3A_262 = arith.index_cast %scan3A_238 : i32 to index
        %swap3A_263 = arith.constant 16 : index
        %swap3A_264 = tpu.vector_load %arg15[%swap3A_262, %swap3A_263] {strides = array<i32>} : memref<128x64xf32, #tpu.memory_space<vmem>>, vector<16xf32>,
        tpu.vector_store %arg15[%swap3A_262, %swap3A_263], %mul3A_261 {strides = array<i32>} : memref<128x64xf32, #tpu.memory_space<vmem>>, vector<16xf32>,
        %get3A_265 = arith.index_cast %scan3A_238 : i32 to index
        %get3A_266 = arith.constant 32 : index
        %get3A_267 = tpu.vector_load %arg14[%get3A_265, %get3A_266] {strides = array<i32>} : memref<128x128xf32, #tpu.memory_space<vmem>>, vector<16xf32>,
        %get3A_268 = arith.index_cast %scan3A_238 : i32 to index
        %get3A_269 = arith.constant 96 : index
        %get3A_270 = tpu.vector_load %arg14[%get3A_268, %get3A_269] {strides = array<i32>} : memref<128x128xf32, #tpu.memory_space<vmem>>, vector<16xf32>,
        %select_n3A_271 = arith.select %eq3A_242, %get3A_270, %get3A_267 : vector<16xi1>, vector<16xf32>
        %mul3A_272 = arith.mulf %select_n3A_271, %gather3A : vector<16xf32>
        %swap3A_273 = arith.index_cast %scan3A_238 : i32 to index
        %swap3A_274 = arith.constant 32 : index
        %swap3A_275 = tpu.vector_load %arg15[%swap3A_273, %swap3A_274] {strides = array<i32>} : memref<128x64xf32, #tpu.memory_space<vmem>>, vector<16xf32>,
        tpu.vector_store %arg15[%swap3A_273, %swap3A_274], %mul3A_272 {strides = array<i32>} : memref<128x64xf32, #tpu.memory_space<vmem>>, vector<16xf32>,
        %get3A_276 = arith.index_cast %scan3A_238 : i32 to index
        %get3A_277 = arith.constant 48 : index
        %get3A_278 = tpu.vector_load %arg14[%get3A_276, %get3A_277] {strides = array<i32>} : memref<128x128xf32, #tpu.memory_space<vmem>>, vector<16xf32>,
        %get3A_279 = arith.index_cast %scan3A_238 : i32 to index
        %get3A_280 = arith.constant 112 : index
        %get3A_281 = tpu.vector_load %arg14[%get3A_279, %get3A_280] {strides = array<i32>} : memref<128x128xf32, #tpu.memory_space<vmem>>, vector<16xf32>,
        %select_n3A_282 = arith.select %eq3A_242, %get3A_281, %get3A_278 : vector<16xi1>, vector<16xf32>
        %mul3A_283 = arith.mulf %select_n3A_282, %gather3A : vector<16xf32>
        %swap3A_284 = arith.index_cast %scan3A_238 : i32 to index
        %swap3A_285 = arith.constant 48 : index
        %swap3A_286 = tpu.vector_load %arg15[%swap3A_284, %swap3A_285] {strides = array<i32>} : memref<128x64xf32, #tpu.memory_space<vmem>>, vector<16xf32>,
        tpu.vector_store %arg15[%swap3A_284, %swap3A_285], %mul3A_283 {strides = array<i32>} : memref<128x64xf32, #tpu.memory_space<vmem>>, vector<16xf32>,
      }
      %scan3A_237 = arith.constant 128 : i32
      "tpu.region"() ({
        %run_scoped3A = tpu.sem_alloc : memref<!tpu.dma_semaphore, #tpu.memory_space<semaphore_mem>>
        %dma_start3A_238 = arith.constant 0 : i32
        %dma_start3A_239 = arith.constant 0 : i32
        %dma_start3A_240 = tpu.memref_slice %arg16[%dma_start3A_238, %dma_start3A_239] : memref<25600x64xf32, #tpu.memory_space<vmem_shared>> -> memref<25600x64xf32, #tpu.memory_space<vmem_shared>>
        tpu.enqueue_indirect_dma source(%arg15 : memref<128x64xf32, #tpu.memory_space<vmem>>) target(%dma_start3A_240 : memref<25600x64xf32, #tpu.memory_space<vmem_shared>>) offsets(%arg12 : memref<128xi32, #tpu.memory_space<vmem>>) semaphore(%run_scoped3A : memref<!tpu.dma_semaphore, #tpu.memory_space<semaphore_mem>>) {add = true}
        %dma_wait3A_241 = arith.constant 0 : i32
        %dma_wait3A_242 = arith.constant 0 : i32
        %dma_wait3A_243 = tpu.memref_slice %arg16[%dma_wait3A_241, %dma_wait3A_242] : memref<25600x64xf32, #tpu.memory_space<vmem_shared>> -> memref<25600x64xf32, #tpu.memory_space<vmem_shared>>
        tpu.wait_indirect_dma semaphore(%run_scoped3A : memref<!tpu.dma_semaphore, #tpu.memory_space<semaphore_mem>>) src(%arg15 : memref<128x64xf32, #tpu.memory_space<vmem>>) dst(%dma_wait3A_243 : memref<25600x64xf32, #tpu.memory_space<vmem_shared>>)
        tpu.yield
      }) : () -> ()
    }
    %scan3A_9 = arith.constant 400 : i32
    %barrier3A_10 = arith.constant 0 : index
    tpu.barrier barrier_id(%barrier3A_10)
    "tpu.region"() ({
      %run_scoped3A = tpu.sem_alloc : memref<!tpu.dma_semaphore, #tpu.memory_space<semaphore_mem>>
      %dma_start3A = arith.constant 0 : i32
      %dma_start3A_11 = tpu.memref_slice %arg7[%arg0, %mul3A_0, %dma_start3A] : memref<2x25600x64xf32, #tpu.memory_space<hbm>> -> memref<1x1600x64xf32, #tpu.memory_space<hbm>>
      %dma_start3A_12 = tpu.memref_squeeze %dma_start3A_11 : memref<1x1600x64xf32, #tpu.memory_space<hbm>> -> memref<1600x64xf32, #tpu.memory_space<hbm>>
      %dma_start3A_13 = arith.constant 0 : i32
      %dma_start3A_14 = tpu.memref_slice %arg16[%mul3A_0, %dma_start3A_13] : memref<25600x64xf32, #tpu.memory_space<vmem_shared>> -> memref<1600x64xf32, #tpu.memory_space<vmem_shared>>
      tpu.enqueue_dma source(%dma_start3A_14 : memref<1600x64xf32, #tpu.memory_space<vmem_shared>>) target(%dma_start3A_12 : memref<1600x64xf32, #tpu.memory_space<hbm>>) target_semaphore(%run_scoped3A : memref<!tpu.dma_semaphore, #tpu.memory_space<semaphore_mem>>)
      %dma_wait3A = arith.constant 0 : i32
      %dma_wait3A_15 = tpu.memref_slice %arg7[%arg0, %mul3A_0, %dma_wait3A] : memref<2x25600x64xf32, #tpu.memory_space<hbm>> -> memref<1x1600x64xf32, #tpu.memory_space<hbm>>
      %dma_wait3A_16 = tpu.memref_squeeze %dma_wait3A_15 : memref<1x1600x64xf32, #tpu.memory_space<hbm>> -> memref<1600x64xf32, #tpu.memory_space<hbm>>
      %dma_wait3A_17 = arith.constant 0 : i32
      %dma_wait3A_18 = tpu.memref_slice %arg16[%mul3A_0, %dma_wait3A_17] : memref<25600x64xf32, #tpu.memory_space<vmem_shared>> -> memref<1600x64xf32, #tpu.memory_space<vmem_shared>>
      tpu.wait_dma2 semaphore(%run_scoped3A : memref<!tpu.dma_semaphore, #tpu.memory_space<semaphore_mem>>) src(%dma_wait3A_18 : memref<1600x64xf32, #tpu.memory_space<vmem_shared>>) dst(%dma_wait3A_16 : memref<1600x64xf32, #tpu.memory_space<hbm>>)
      tpu.yield
    }) : () -> ()
    return
  }
}

#map = affine_map<(d0, d1) -> (0)>
#map1 = affine_map<(d0, d1) -> (0, 0)>
module attributes {stable_mosaic.version = 14 : i64} {
  func.func @_sc_gather_body(%arg0: i32, %arg1: i32, %arg2: memref<12288xi32, #tpu.memory_space<hbm>>, %arg3: memref<50000x128xf32, #tpu.memory_space<hbm>>, %arg4: memref<12288x128xf32, #tpu.memory_space<hbm>>, %arg5: memref<128xi32, #tpu.memory_space<vmem>>, %arg6: memref<128x128xf32, #tpu.memory_space<vmem>>, %arg7: memref<!tpu.dma_semaphore, #tpu.memory_space<semaphore_mem>>) attributes {dimension_semantics = [#tpu.dimension_semantics<core_parallel>, #tpu.dimension_semantics<subcore_parallel>], iteration_bounds = array<i64: 2, 16>, scalar_prefetch = 0 : i64, scratch_operands = 3 : i64, tpu.core_type = #tpu.core_type<sc_vector_subcore>, window_params = [{transform_indices = #map}, {transform_indices = #map1}, {transform_indices = #map1}]} {
    %mul3A = arith.constant 2 : i32
    %mul3A_0 = arith.muli %arg1, %mul3A : i32
    %add3A = arith.addi %mul3A_0, %arg0 : i32
    %mul3A_1 = arith.constant 384 : i32
    %mul3A_2 = arith.muli %add3A, %mul3A_1 : i32
    %add3A_3 = arith.constant 0 : i32
    %add3A_4 = arith.addi %mul3A_2, %add3A_3 : i32
    "tpu.region"() ({
      %run_scoped3A = tpu.sem_alloc : memref<!tpu.dma_semaphore, #tpu.memory_space<semaphore_mem>>
      %dma_start3A_25 = tpu.memref_slice %arg2[%add3A_4] : memref<12288xi32, #tpu.memory_space<hbm>> -> memref<128xi32, #tpu.memory_space<hbm>>
      %dma_start3A_26 = tpu.memref_slice %arg2[%add3A_4] : memref<12288xi32, #tpu.memory_space<hbm>> -> memref<128xi32, #tpu.memory_space<hbm>>
      tpu.enqueue_dma source(%dma_start3A_26 : memref<128xi32, #tpu.memory_space<hbm>>) target(%arg5 : memref<128xi32, #tpu.memory_space<vmem>>) target_semaphore(%run_scoped3A : memref<!tpu.dma_semaphore, #tpu.memory_space<semaphore_mem>>)
      %dma_wait3A_27 = tpu.memref_slice %arg2[%add3A_4] : memref<12288xi32, #tpu.memory_space<hbm>> -> memref<128xi32, #tpu.memory_space<hbm>>
      %dma_wait3A_28 = tpu.memref_slice %arg2[%add3A_4] : memref<12288xi32, #tpu.memory_space<hbm>> -> memref<128xi32, #tpu.memory_space<hbm>>
      tpu.wait_dma2 semaphore(%run_scoped3A : memref<!tpu.dma_semaphore, #tpu.memory_space<semaphore_mem>>) src(%dma_wait3A_28 : memref<128xi32, #tpu.memory_space<hbm>>) dst(%arg5 : memref<128xi32, #tpu.memory_space<vmem>>)
      tpu.yield
    }) : () -> ()
    %dma_start3A = arith.constant 0 : i32
    %dma_start3A_5 = arith.constant 0 : i32
    %dma_start3A_6 = tpu.memref_slice %arg3[%dma_start3A, %dma_start3A_5] : memref<50000x128xf32, #tpu.memory_space<hbm>> -> memref<50000x128xf32, #tpu.memory_space<hbm>>
    tpu.enqueue_indirect_dma source(%dma_start3A_6 : memref<50000x128xf32, #tpu.memory_space<hbm>>) target(%arg6 : memref<128x128xf32, #tpu.memory_space<vmem>>) offsets(%arg5 : memref<128xi32, #tpu.memory_space<vmem>>) semaphore(%arg7 : memref<!tpu.dma_semaphore, #tpu.memory_space<semaphore_mem>>)
    %dma_wait3A = arith.constant 0 : i32
    %dma_wait3A_7 = arith.constant 0 : i32
    %dma_wait3A_8 = tpu.memref_slice %arg3[%dma_wait3A, %dma_wait3A_7] : memref<50000x128xf32, #tpu.memory_space<hbm>> -> memref<50000x128xf32, #tpu.memory_space<hbm>>
    tpu.wait_indirect_dma semaphore(%arg7 : memref<!tpu.dma_semaphore, #tpu.memory_space<semaphore_mem>>) src(%dma_wait3A_8 : memref<50000x128xf32, #tpu.memory_space<hbm>>) dst(%arg6 : memref<128x128xf32, #tpu.memory_space<vmem>>)
    "tpu.region"() ({
      %run_scoped3A = tpu.sem_alloc : memref<!tpu.dma_semaphore, #tpu.memory_space<semaphore_mem>>
      %dma_start3A_25 = arith.constant 0 : i32
      %dma_start3A_26 = tpu.memref_slice %arg4[%add3A_4, %dma_start3A_25] : memref<12288x128xf32, #tpu.memory_space<hbm>> -> memref<128x128xf32, #tpu.memory_space<hbm>>
      %dma_start3A_27 = arith.constant 0 : i32
      %dma_start3A_28 = tpu.memref_slice %arg4[%add3A_4, %dma_start3A_27] : memref<12288x128xf32, #tpu.memory_space<hbm>> -> memref<128x128xf32, #tpu.memory_space<hbm>>
      tpu.enqueue_dma source(%arg6 : memref<128x128xf32, #tpu.memory_space<vmem>>) target(%dma_start3A_28 : memref<128x128xf32, #tpu.memory_space<hbm>>) target_semaphore(%run_scoped3A : memref<!tpu.dma_semaphore, #tpu.memory_space<semaphore_mem>>)
      %dma_wait3A_29 = arith.constant 0 : i32
      %dma_wait3A_30 = tpu.memref_slice %arg4[%add3A_4, %dma_wait3A_29] : memref<12288x128xf32, #tpu.memory_space<hbm>> -> memref<128x128xf32, #tpu.memory_space<hbm>>
      %dma_wait3A_31 = arith.constant 0 : i32
      %dma_wait3A_32 = tpu.memref_slice %arg4[%add3A_4, %dma_wait3A_31] : memref<12288x128xf32, #tpu.memory_space<hbm>> -> memref<128x128xf32, #tpu.memory_space<hbm>>
      tpu.wait_dma2 semaphore(%run_scoped3A : memref<!tpu.dma_semaphore, #tpu.memory_space<semaphore_mem>>) src(%arg6 : memref<128x128xf32, #tpu.memory_space<vmem>>) dst(%dma_wait3A_32 : memref<128x128xf32, #tpu.memory_space<hbm>>)
      tpu.yield
    }) : () -> ()
    %add3A_9 = arith.constant 128 : i32
    %add3A_10 = arith.addi %mul3A_2, %add3A_9 : i32
    "tpu.region"() ({
      %run_scoped3A = tpu.sem_alloc : memref<!tpu.dma_semaphore, #tpu.memory_space<semaphore_mem>>
      %dma_start3A_25 = tpu.memref_slice %arg2[%add3A_10] : memref<12288xi32, #tpu.memory_space<hbm>> -> memref<128xi32, #tpu.memory_space<hbm>>
      %dma_start3A_26 = tpu.memref_slice %arg2[%add3A_10] : memref<12288xi32, #tpu.memory_space<hbm>> -> memref<128xi32, #tpu.memory_space<hbm>>
      tpu.enqueue_dma source(%dma_start3A_26 : memref<128xi32, #tpu.memory_space<hbm>>) target(%arg5 : memref<128xi32, #tpu.memory_space<vmem>>) target_semaphore(%run_scoped3A : memref<!tpu.dma_semaphore, #tpu.memory_space<semaphore_mem>>)
      %dma_wait3A_27 = tpu.memref_slice %arg2[%add3A_10] : memref<12288xi32, #tpu.memory_space<hbm>> -> memref<128xi32, #tpu.memory_space<hbm>>
      %dma_wait3A_28 = tpu.memref_slice %arg2[%add3A_10] : memref<12288xi32, #tpu.memory_space<hbm>> -> memref<128xi32, #tpu.memory_space<hbm>>
      tpu.wait_dma2 semaphore(%run_scoped3A : memref<!tpu.dma_semaphore, #tpu.memory_space<semaphore_mem>>) src(%dma_wait3A_28 : memref<128xi32, #tpu.memory_space<hbm>>) dst(%arg5 : memref<128xi32, #tpu.memory_space<vmem>>)
      tpu.yield
    }) : () -> ()
    %dma_start3A_11 = arith.constant 0 : i32
    %dma_start3A_12 = arith.constant 0 : i32
    %dma_start3A_13 = tpu.memref_slice %arg3[%dma_start3A_11, %dma_start3A_12] : memref<50000x128xf32, #tpu.memory_space<hbm>> -> memref<50000x128xf32, #tpu.memory_space<hbm>>
    tpu.enqueue_indirect_dma source(%dma_start3A_13 : memref<50000x128xf32, #tpu.memory_space<hbm>>) target(%arg6 : memref<128x128xf32, #tpu.memory_space<vmem>>) offsets(%arg5 : memref<128xi32, #tpu.memory_space<vmem>>) semaphore(%arg7 : memref<!tpu.dma_semaphore, #tpu.memory_space<semaphore_mem>>)
    %dma_wait3A_14 = arith.constant 0 : i32
    %dma_wait3A_15 = arith.constant 0 : i32
    %dma_wait3A_16 = tpu.memref_slice %arg3[%dma_wait3A_14, %dma_wait3A_15] : memref<50000x128xf32, #tpu.memory_space<hbm>> -> memref<50000x128xf32, #tpu.memory_space<hbm>>
    tpu.wait_indirect_dma semaphore(%arg7 : memref<!tpu.dma_semaphore, #tpu.memory_space<semaphore_mem>>) src(%dma_wait3A_16 : memref<50000x128xf32, #tpu.memory_space<hbm>>) dst(%arg6 : memref<128x128xf32, #tpu.memory_space<vmem>>)
    "tpu.region"() ({
      %run_scoped3A = tpu.sem_alloc : memref<!tpu.dma_semaphore, #tpu.memory_space<semaphore_mem>>
      %dma_start3A_25 = arith.constant 0 : i32
      %dma_start3A_26 = tpu.memref_slice %arg4[%add3A_10, %dma_start3A_25] : memref<12288x128xf32, #tpu.memory_space<hbm>> -> memref<128x128xf32, #tpu.memory_space<hbm>>
      %dma_start3A_27 = arith.constant 0 : i32
      %dma_start3A_28 = tpu.memref_slice %arg4[%add3A_10, %dma_start3A_27] : memref<12288x128xf32, #tpu.memory_space<hbm>> -> memref<128x128xf32, #tpu.memory_space<hbm>>
      tpu.enqueue_dma source(%arg6 : memref<128x128xf32, #tpu.memory_space<vmem>>) target(%dma_start3A_28 : memref<128x128xf32, #tpu.memory_space<hbm>>) target_semaphore(%run_scoped3A : memref<!tpu.dma_semaphore, #tpu.memory_space<semaphore_mem>>)
      %dma_wait3A_29 = arith.constant 0 : i32
      %dma_wait3A_30 = tpu.memref_slice %arg4[%add3A_10, %dma_wait3A_29] : memref<12288x128xf32, #tpu.memory_space<hbm>> -> memref<128x128xf32, #tpu.memory_space<hbm>>
      %dma_wait3A_31 = arith.constant 0 : i32
      %dma_wait3A_32 = tpu.memref_slice %arg4[%add3A_10, %dma_wait3A_31] : memref<12288x128xf32, #tpu.memory_space<hbm>> -> memref<128x128xf32, #tpu.memory_space<hbm>>
      tpu.wait_dma2 semaphore(%run_scoped3A : memref<!tpu.dma_semaphore, #tpu.memory_space<semaphore_mem>>) src(%arg6 : memref<128x128xf32, #tpu.memory_space<vmem>>) dst(%dma_wait3A_32 : memref<128x128xf32, #tpu.memory_space<hbm>>)
      tpu.yield
    }) : () -> ()
    %add3A_17 = arith.constant 256 : i32
    %add3A_18 = arith.addi %mul3A_2, %add3A_17 : i32
    "tpu.region"() ({
      %run_scoped3A = tpu.sem_alloc : memref<!tpu.dma_semaphore, #tpu.memory_space<semaphore_mem>>
      %dma_start3A_25 = tpu.memref_slice %arg2[%add3A_18] : memref<12288xi32, #tpu.memory_space<hbm>> -> memref<128xi32, #tpu.memory_space<hbm>>
      %dma_start3A_26 = tpu.memref_slice %arg2[%add3A_18] : memref<12288xi32, #tpu.memory_space<hbm>> -> memref<128xi32, #tpu.memory_space<hbm>>
      tpu.enqueue_dma source(%dma_start3A_26 : memref<128xi32, #tpu.memory_space<hbm>>) target(%arg5 : memref<128xi32, #tpu.memory_space<vmem>>) target_semaphore(%run_scoped3A : memref<!tpu.dma_semaphore, #tpu.memory_space<semaphore_mem>>)
      %dma_wait3A_27 = tpu.memref_slice %arg2[%add3A_18] : memref<12288xi32, #tpu.memory_space<hbm>> -> memref<128xi32, #tpu.memory_space<hbm>>
      %dma_wait3A_28 = tpu.memref_slice %arg2[%add3A_18] : memref<12288xi32, #tpu.memory_space<hbm>> -> memref<128xi32, #tpu.memory_space<hbm>>
      tpu.wait_dma2 semaphore(%run_scoped3A : memref<!tpu.dma_semaphore, #tpu.memory_space<semaphore_mem>>) src(%dma_wait3A_28 : memref<128xi32, #tpu.memory_space<hbm>>) dst(%arg5 : memref<128xi32, #tpu.memory_space<vmem>>)
      tpu.yield
    }) : () -> ()
    %dma_start3A_19 = arith.constant 0 : i32
    %dma_start3A_20 = arith.constant 0 : i32
    %dma_start3A_21 = tpu.memref_slice %arg3[%dma_start3A_19, %dma_start3A_20] : memref<50000x128xf32, #tpu.memory_space<hbm>> -> memref<50000x128xf32, #tpu.memory_space<hbm>>
    tpu.enqueue_indirect_dma source(%dma_start3A_21 : memref<50000x128xf32, #tpu.memory_space<hbm>>) target(%arg6 : memref<128x128xf32, #tpu.memory_space<vmem>>) offsets(%arg5 : memref<128xi32, #tpu.memory_space<vmem>>) semaphore(%arg7 : memref<!tpu.dma_semaphore, #tpu.memory_space<semaphore_mem>>)
    %dma_wait3A_22 = arith.constant 0 : i32
    %dma_wait3A_23 = arith.constant 0 : i32
    %dma_wait3A_24 = tpu.memref_slice %arg3[%dma_wait3A_22, %dma_wait3A_23] : memref<50000x128xf32, #tpu.memory_space<hbm>> -> memref<50000x128xf32, #tpu.memory_space<hbm>>
    tpu.wait_indirect_dma semaphore(%arg7 : memref<!tpu.dma_semaphore, #tpu.memory_space<semaphore_mem>>) src(%dma_wait3A_24 : memref<50000x128xf32, #tpu.memory_space<hbm>>) dst(%arg6 : memref<128x128xf32, #tpu.memory_space<vmem>>)
    "tpu.region"() ({
      %run_scoped3A = tpu.sem_alloc : memref<!tpu.dma_semaphore, #tpu.memory_space<semaphore_mem>>
      %dma_start3A_25 = arith.constant 0 : i32
      %dma_start3A_26 = tpu.memref_slice %arg4[%add3A_18, %dma_start3A_25] : memref<12288x128xf32, #tpu.memory_space<hbm>> -> memref<128x128xf32, #tpu.memory_space<hbm>>
      %dma_start3A_27 = arith.constant 0 : i32
      %dma_start3A_28 = tpu.memref_slice %arg4[%add3A_18, %dma_start3A_27] : memref<12288x128xf32, #tpu.memory_space<hbm>> -> memref<128x128xf32, #tpu.memory_space<hbm>>
      tpu.enqueue_dma source(%arg6 : memref<128x128xf32, #tpu.memory_space<vmem>>) target(%dma_start3A_28 : memref<128x128xf32, #tpu.memory_space<hbm>>) target_semaphore(%run_scoped3A : memref<!tpu.dma_semaphore, #tpu.memory_space<semaphore_mem>>)
      %dma_wait3A_29 = arith.constant 0 : i32
      %dma_wait3A_30 = tpu.memref_slice %arg4[%add3A_18, %dma_wait3A_29] : memref<12288x128xf32, #tpu.memory_space<hbm>> -> memref<128x128xf32, #tpu.memory_space<hbm>>
      %dma_wait3A_31 = arith.constant 0 : i32
      %dma_wait3A_32 = tpu.memref_slice %arg4[%add3A_18, %dma_wait3A_31] : memref<12288x128xf32, #tpu.memory_space<hbm>> -> memref<128x128xf32, #tpu.memory_space<hbm>>
      tpu.wait_dma2 semaphore(%run_scoped3A : memref<!tpu.dma_semaphore, #tpu.memory_space<semaphore_mem>>) src(%arg6 : memref<128x128xf32, #tpu.memory_space<vmem>>) dst(%dma_wait3A_32 : memref<128x128xf32, #tpu.memory_space<hbm>>)
      tpu.yield
    }) : () -> ()
    return
  }
}

module attributes {stable_mosaic.version = 14 : i64} {
  func.func @_tc_h_body(%arg0: i32, %arg1: memref<400x64xf32, #tpu.memory_space<vmem>>, %arg2: memref<64x64xf32, #tpu.memory_space<vmem>>, %arg3: memref<64xf32, #tpu.memory_space<vmem>>, %arg4: memref<64xf32, #tpu.memory_space<vmem>>, %arg5: memref<400x64xf32, #tpu.memory_space<vmem>>, %arg6: memref<400x1xf32, #tpu.memory_space<vmem>>, %arg7: memref<400x1xf32, #tpu.memory_space<vmem>>) attributes {dimension_semantics = [#tpu.dimension_semantics<arbitrary>], iteration_bounds = array<i64: 125>, scalar_prefetch = 0 : i64, scratch_operands = 0 : i64, tpu.core_type = #tpu.core_type<tc>, window_params = [{transform_indices = @transform_0, window_bounds = array<i64: 400, 64>}, {pipeline_mode = #tpu.pipeline_mode<synchronous>, transform_indices = @transform_1, window_bounds = array<i64: 64, 64>}, {pipeline_mode = #tpu.pipeline_mode<synchronous>, transform_indices = @transform_2, window_bounds = array<i64: 64>}, {pipeline_mode = #tpu.pipeline_mode<synchronous>, transform_indices = @transform_3, window_bounds = array<i64: 64>}, {transform_indices = @transform_4, window_bounds = array<i64: 400, 64>}, {transform_indices = @transform_5, window_bounds = array<i64: 400, 1>}, {transform_indices = @transform_6, window_bounds = array<i64: 400, 1>}]} {
    %get3A = arith.constant 0 : index
    %get3A_0 = arith.constant 0 : index
    %get3A_1 = vector.load %arg1[%get3A, %get3A_0] : memref<400x64xf32, #tpu.memory_space<vmem>>, vector<400x64xf32>
    %get3A_2 = arith.constant 0 : index
    %get3A_3 = arith.constant 0 : index
    %get3A_4 = vector.load %arg2[%get3A_2, %get3A_3] : memref<64x64xf32, #tpu.memory_space<vmem>>, vector<64x64xf32>
    %dot_general3A = arith.constant dense<0.000000e+00> : vector<400x64xf32>
    %dot_general3A_5 = tpu.matmul %get3A_1, %get3A_4, %dot_general3A {dimension_numbers = #tpu.dot_dimension_numbers<[1], [0], [0], [1], [0, 0, 1, 1], [], []>, transpose_lhs_hint = false} : vector<400x64xf32>, vector<64x64xf32>, vector<400x64xf32> -> vector<400x64xf32>
    %swap3A = arith.constant 0 : index
    %swap3A_6 = arith.constant 0 : index
    %swap3A_7 = vector.load %arg5[%swap3A, %swap3A_6] : memref<400x64xf32, #tpu.memory_space<vmem>>, vector<400x64xf32>
    tpu.vector_store %arg5[%swap3A, %swap3A_6], %dot_general3A_5 {strides = array<i32>} : memref<400x64xf32, #tpu.memory_space<vmem>>, vector<400x64xf32>,
    %get3A_8 = arith.constant 0 : index
    %get3A_9 = vector.load %arg3[%get3A_8] : memref<64xf32, #tpu.memory_space<vmem>>, vector<64xf32>
    %broadcast_in_dim3A = vector.shape_cast %get3A_9 : vector<64xf32> to vector<1x64xf32>
    %mul3A = vector.broadcast %broadcast_in_dim3A : vector<1x64xf32> to vector<400x64xf32>
    %mul3A_10 = arith.mulf %dot_general3A_5, %mul3A : vector<400x64xf32>
    %reduce_sum3A = arith.constant dense<0.000000e+00> : vector<400xf32>
    %reduce_sum3A_11 = vector.multi_reduction <add>, %mul3A_10, %reduce_sum3A [1] : vector<400x64xf32> to vector<400xf32>
    %broadcast_in_dim3A_12 = vector.shape_cast %reduce_sum3A_11 : vector<400xf32> to vector<400x1xf32>
    %swap3A_13 = arith.constant 0 : index
    %swap3A_14 = arith.constant 0 : index
    %swap3A_15 = vector.load %arg6[%swap3A_13, %swap3A_14] : memref<400x1xf32, #tpu.memory_space<vmem>>, vector<400x1xf32>
    tpu.vector_store %arg6[%swap3A_13, %swap3A_14], %broadcast_in_dim3A_12 {strides = array<i32>} : memref<400x1xf32, #tpu.memory_space<vmem>>, vector<400x1xf32>,
    %get3A_16 = arith.constant 0 : index
    %get3A_17 = vector.load %arg4[%get3A_16] : memref<64xf32, #tpu.memory_space<vmem>>, vector<64xf32>
    %broadcast_in_dim3A_18 = vector.shape_cast %get3A_17 : vector<64xf32> to vector<1x64xf32>
    %mul3A_19 = vector.broadcast %broadcast_in_dim3A_18 : vector<1x64xf32> to vector<400x64xf32>
    %mul3A_20 = arith.mulf %dot_general3A_5, %mul3A_19 : vector<400x64xf32>
    %reduce_sum3A_21 = arith.constant dense<0.000000e+00> : vector<400xf32>
    %reduce_sum3A_22 = vector.multi_reduction <add>, %mul3A_20, %reduce_sum3A_21 [1] : vector<400x64xf32> to vector<400xf32>
    %broadcast_in_dim3A_23 = vector.shape_cast %reduce_sum3A_22 : vector<400xf32> to vector<400x1xf32>
    %swap3A_24 = arith.constant 0 : index
    %swap3A_25 = arith.constant 0 : index
    %swap3A_26 = vector.load %arg7[%swap3A_24, %swap3A_25] : memref<400x1xf32, #tpu.memory_space<vmem>>, vector<400x1xf32>
    tpu.vector_store %arg7[%swap3A_24, %swap3A_25], %broadcast_in_dim3A_23 {strides = array<i32>} : memref<400x1xf32, #tpu.memory_space<vmem>>, vector<400x1xf32>,
    return
  }
  func.func @transform_0(%arg0: i32) -> (i32, i32) {
    %c0_i32 = arith.constant 0 : i32
    %c0_i32_0 = arith.constant 0 : i32
    return %arg0, %c0_i32 : i32, i32
  }
  func.func @transform_1(%arg0: i32) -> (i32, i32) {
    %c0_i32 = arith.constant 0 : i32
    %c0_i32_0 = arith.constant 0 : i32
    %c0_i32_1 = arith.constant 0 : i32
    return %c0_i32, %c0_i32_0 : i32, i32
  }
  func.func @transform_2(%arg0: i32) -> i32 {
    %c0_i32 = arith.constant 0 : i32
    %c0_i32_0 = arith.constant 0 : i32
    return %c0_i32 : i32
  }
  func.func @transform_3(%arg0: i32) -> i32 {
    %c0_i32 = arith.constant 0 : i32
    %c0_i32_0 = arith.constant 0 : i32
    return %c0_i32 : i32
  }
  func.func @transform_4(%arg0: i32) -> (i32, i32) {
    %c0_i32 = arith.constant 0 : i32
    %c0_i32_0 = arith.constant 0 : i32
    return %arg0, %c0_i32 : i32, i32
  }
  func.func @transform_5(%arg0: i32) -> (i32, i32) {
    %c0_i32 = arith.constant 0 : i32
    %c0_i32_0 = arith.constant 0 : i32
    return %arg0, %c0_i32 : i32, i32
  }
  func.func @transform_6(%arg0: i32) -> (i32, i32) {
    %c0_i32 = arith.constant 0 : i32
    %c0_i32_0 = arith.constant 0 : i32
    return %arg0, %c0_i32 : i32, i32
  }
}

module attributes {stable_mosaic.version = 14 : i64} {
  func.func @_tc_fin_body(%arg0: i32, %arg1: memref<400x64xf32, #tpu.memory_space<vmem>>, %arg2: memref<400x64xf32, #tpu.memory_space<vmem>>, %arg3: memref<400x64xf32, #tpu.memory_space<vmem>>, %arg4: memref<400x1xf32, #tpu.memory_space<vmem>>, %arg5: memref<400x1xf32, #tpu.memory_space<vmem>>, %arg6: memref<400x1xf32, #tpu.memory_space<vmem>>, %arg7: memref<400x1xf32, #tpu.memory_space<vmem>>, %arg8: memref<64xf32, #tpu.memory_space<vmem>>, %arg9: memref<400x128xf32, #tpu.memory_space<vmem>>) attributes {dimension_semantics = [#tpu.dimension_semantics<arbitrary>], iteration_bounds = array<i64: 125>, scalar_prefetch = 0 : i64, scratch_operands = 0 : i64, tpu.core_type = #tpu.core_type<tc>, window_params = [{transform_indices = @transform_0, window_bounds = array<i64: 400, 64>}, {transform_indices = @transform_1, window_bounds = array<i64: 400, 64>}, {transform_indices = @transform_2, window_bounds = array<i64: 400, 64>}, {transform_indices = @transform_3, window_bounds = array<i64: 400, 1>}, {transform_indices = @transform_4, window_bounds = array<i64: 400, 1>}, {transform_indices = @transform_5, window_bounds = array<i64: 400, 1>}, {transform_indices = @transform_6, window_bounds = array<i64: 400, 1>}, {pipeline_mode = #tpu.pipeline_mode<synchronous>, transform_indices = @transform_7, window_bounds = array<i64: 64>}, {transform_indices = @transform_8, window_bounds = array<i64: 400, 128>}]} {
    %get3A = arith.constant 0 : index
    %get3A_0 = arith.constant 0 : index
    %get3A_1 = vector.load %arg6[%get3A, %get3A_0] : memref<400x1xf32, #tpu.memory_space<vmem>>, vector<400x1xf32>
    %get3A_2 = arith.constant 0 : index
    %get3A_3 = arith.constant 0 : index
    %get3A_4 = vector.load %arg7[%get3A_2, %get3A_3] : memref<400x1xf32, #tpu.memory_space<vmem>>, vector<400x1xf32>
    %add3A = arith.addf %get3A_1, %get3A_4 : vector<400x1xf32>
    %mul3A = arith.constant 2.000000e-01 : f32
    %mul3A_5 = vector.broadcast %mul3A : f32 to vector<400x1xf32>
    %mul3A_6 = arith.mulf %mul3A_5, %add3A : vector<400x1xf32>
    %max3A = arith.maximumf %add3A, %mul3A_6 : vector<400x1xf32>
    %exp3A = math.exp %max3A : vector<400x1xf32>
    %get3A_7 = arith.constant 0 : index
    %get3A_8 = arith.constant 0 : index
    %get3A_9 = vector.load %arg4[%get3A_7, %get3A_8] : memref<400x1xf32, #tpu.memory_space<vmem>>, vector<400x1xf32>
    %get3A_10 = arith.constant 0 : index
    %get3A_11 = arith.constant 0 : index
    %get3A_12 = vector.load %arg5[%get3A_10, %get3A_11] : memref<400x1xf32, #tpu.memory_space<vmem>>, vector<400x1xf32>
    %add3A_13 = arith.addf %get3A_9, %get3A_12 : vector<400x1xf32>
    %add3A_14 = arith.addf %add3A_13, %exp3A : vector<400x1xf32>
    %add3A_15 = arith.constant 1.000000e-16 : f32
    %add3A_16 = vector.broadcast %add3A_15 : f32 to vector<400x1xf32>
    %add3A_17 = arith.addf %add3A_14, %add3A_16 : vector<400x1xf32>
    %get3A_18 = arith.constant 0 : index
    %get3A_19 = arith.constant 0 : index
    %get3A_20 = vector.load %arg2[%get3A_18, %get3A_19] : memref<400x64xf32, #tpu.memory_space<vmem>>, vector<400x64xf32>
    %get3A_21 = arith.constant 0 : index
    %get3A_22 = arith.constant 0 : index
    %get3A_23 = vector.load %arg3[%get3A_21, %get3A_22] : memref<400x64xf32, #tpu.memory_space<vmem>>, vector<400x64xf32>
    %mul3A_24 = vector.broadcast %exp3A : vector<400x1xf32> to vector<400x64xf32>
    %mul3A_25 = arith.mulf %mul3A_24, %get3A_23 : vector<400x64xf32>
    %add3A_26 = arith.addf %get3A_20, %mul3A_25 : vector<400x64xf32>
    %div3A = vector.broadcast %add3A_17 : vector<400x1xf32> to vector<400x64xf32>
    %div3A_27 = arith.divf %add3A_26, %div3A : vector<400x64xf32>
    %get3A_28 = arith.constant 0 : index
    %get3A_29 = vector.load %arg8[%get3A_28] : memref<64xf32, #tpu.memory_space<vmem>>, vector<64xf32>
    %broadcast_in_dim3A = vector.shape_cast %get3A_29 : vector<64xf32> to vector<1x64xf32>
    %add3A_30 = vector.broadcast %broadcast_in_dim3A : vector<1x64xf32> to vector<400x64xf32>
    %add3A_31 = arith.addf %div3A_27, %add3A_30 : vector<400x64xf32>
    %get3A_32 = arith.constant 0 : index
    %get3A_33 = arith.constant 0 : index
    %get3A_34 = vector.load %arg1[%get3A_32, %get3A_33] : memref<400x64xf32, #tpu.memory_space<vmem>>, vector<400x64xf32>
    %concatenate3A = tpu.concatenate %get3A_34, %add3A_31 in 1 : vector<400x64xf32>, vector<400x64xf32> -> vector<400x128xf32>
    %swap3A = arith.constant 0 : index
    %swap3A_35 = arith.constant 0 : index
    %swap3A_36 = vector.load %arg9[%swap3A, %swap3A_35] : memref<400x128xf32, #tpu.memory_space<vmem>>, vector<400x128xf32>
    tpu.vector_store %arg9[%swap3A, %swap3A_35], %concatenate3A {strides = array<i32>} : memref<400x128xf32, #tpu.memory_space<vmem>>, vector<400x128xf32>,
    return
  }
  func.func @transform_0(%arg0: i32) -> (i32, i32) {
    %c0_i32 = arith.constant 0 : i32
    %c0_i32_0 = arith.constant 0 : i32
    return %arg0, %c0_i32 : i32, i32
  }
  func.func @transform_1(%arg0: i32) -> (i32, i32) {
    %c0_i32 = arith.constant 0 : i32
    %c0_i32_0 = arith.constant 0 : i32
    return %arg0, %c0_i32 : i32, i32
  }
  func.func @transform_2(%arg0: i32) -> (i32, i32) {
    %c0_i32 = arith.constant 0 : i32
    %c0_i32_0 = arith.constant 0 : i32
    return %arg0, %c0_i32 : i32, i32
  }
  func.func @transform_3(%arg0: i32) -> (i32, i32) {
    %c0_i32 = arith.constant 0 : i32
    %c0_i32_0 = arith.constant 0 : i32
    return %arg0, %c0_i32 : i32, i32
  }
  func.func @transform_4(%arg0: i32) -> (i32, i32) {
    %c0_i32 = arith.constant 0 : i32
    %c0_i32_0 = arith.constant 0 : i32
    return %arg0, %c0_i32 : i32, i32
  }
  func.func @transform_5(%arg0: i32) -> (i32, i32) {
    %c0_i32 = arith.constant 0 : i32
    %c0_i32_0 = arith.constant 0 : i32
    return %arg0, %c0_i32 : i32, i32
  }
  func.func @transform_6(%arg0: i32) -> (i32, i32) {
    %c0_i32 = arith.constant 0 : i32
    %c0_i32_0 = arith.constant 0 : i32
    return %arg0, %c0_i32 : i32, i32
  }
  func.func @transform_7(%arg0: i32) -> i32 {
    %c0_i32 = arith.constant 0 : i32
    %c0_i32_0 = arith.constant 0 : i32
    return %c0_i32 : i32
  }
  func.func @transform_8(%arg0: i32) -> (i32, i32) {
    %c0_i32 = arith.constant 0 : i32
    %c0_i32_0 = arith.constant 0 : i32
    return %arg0, %c0_i32 : i32, i32
  }
}

module attributes {stable_mosaic.version = 14 : i64} {
  func.func @_tc_score_body(%arg0: memref<4096x128xf32, #tpu.memory_space<vmem>>, %arg1: memref<4096x128xf32, #tpu.memory_space<vmem>>, %arg2: memref<4096x128xf32, #tpu.memory_space<vmem>>, %arg3: memref<4096xf32, #tpu.memory_space<vmem>>, %arg4: memref<1x1xf32, #tpu.memory_space<vmem>>, %arg5: memref<1x1xf32, #tpu.memory_space<vmem>>, %arg6: memref<1x1xf32, #tpu.memory_space<vmem>>) attributes {dimension_semantics = [], scalar_prefetch = 0 : i64, scratch_operands = 0 : i64, tpu.core_type = #tpu.core_type<tc>} {
    %get3A = arith.constant 0 : index
    %get3A_0 = arith.constant 0 : index
    %get3A_1 = vector.load %arg0[%get3A, %get3A_0] : memref<4096x128xf32, #tpu.memory_space<vmem>>, vector<4096x128xf32>
    %get3A_2 = arith.constant 0 : index
    %get3A_3 = arith.constant 0 : index
    %get3A_4 = vector.load %arg1[%get3A_2, %get3A_3] : memref<4096x128xf32, #tpu.memory_space<vmem>>, vector<4096x128xf32>
    %get3A_5 = arith.constant 0 : index
    %get3A_6 = arith.constant 0 : index
    %get3A_7 = vector.load %arg2[%get3A_5, %get3A_6] : memref<4096x128xf32, #tpu.memory_space<vmem>>, vector<4096x128xf32>
    %mul3A = arith.mulf %get3A_1, %get3A_4 : vector<4096x128xf32>
    %reduce_sum3A = arith.constant dense<0.000000e+00> : vector<4096xf32>
    %reduce_sum3A_8 = vector.multi_reduction <add>, %mul3A, %reduce_sum3A [1] : vector<4096x128xf32> to vector<4096xf32>
    %mul3A_9 = arith.mulf %get3A_1, %get3A_7 : vector<4096x128xf32>
    %reduce_sum3A_10 = arith.constant dense<0.000000e+00> : vector<4096xf32>
    %reduce_sum3A_11 = vector.multi_reduction <add>, %mul3A_9, %reduce_sum3A_10 [1] : vector<4096x128xf32> to vector<4096xf32>
    %mul3A_12 = arith.mulf %get3A_7, %get3A_4 : vector<4096x128xf32>
    %reduce_sum3A_13 = arith.constant dense<0.000000e+00> : vector<4096xf32>
    %reduce_sum3A_14 = vector.multi_reduction <add>, %mul3A_12, %reduce_sum3A_13 [1] : vector<4096x128xf32> to vector<4096xf32>
    %add3A = arith.addf %reduce_sum3A_11, %reduce_sum3A_14 : vector<4096xf32>
    %swap3A = arith.constant 0 : index
    %swap3A_15 = vector.load %arg3[%swap3A] : memref<4096xf32, #tpu.memory_space<vmem>>, vector<4096xf32>
    tpu.vector_store %arg3[%swap3A], %add3A {strides = array<i32>} : memref<4096xf32, #tpu.memory_space<vmem>>, vector<4096xf32>,
    %sub3A = arith.subf %reduce_sum3A_8, %reduce_sum3A_11 : vector<4096xf32>
    %neg3A = arith.constant 0.000000e+00 : f32
    %neg3A_16 = vector.broadcast %neg3A : f32 to vector<4096xf32>
    %neg3A_17 = arith.subf %neg3A_16, %sub3A : vector<4096xf32>
    %exp3A = math.exp %neg3A_17 : vector<4096xf32>
    %add3A_18 = arith.constant 1.000000e+00 : f32
    %add3A_19 = vector.broadcast %add3A_18 : f32 to vector<4096xf32>
    %add3A_20 = arith.addf %add3A_19, %exp3A : vector<4096xf32>
    %log3A = math.log %add3A_20 : vector<4096xf32>
    %reduce_sum3A_21 = vector.shape_cast %log3A : vector<4096xf32> to vector<1x4096xf32>
    %reduce_sum3A_22 = arith.constant dense<0.000000e+00> : vector<1xf32>
    %reduce_sum3A_23 = vector.multi_reduction <add>, %reduce_sum3A_21, %reduce_sum3A_22 [1] : vector<1x4096xf32> to vector<1xf32>
    %reduce_sum3A_24 = vector.shape_cast %reduce_sum3A_23 : vector<1xf32> to vector<1x1xf32>
    %reduce_sum3A_25 = vector.extract %reduce_sum3A_24[0, 0] : f32 from vector<1x1xf32>
    %div3A = arith.constant 4.096000e+03 : f32
    %div3A_26 = arith.divf %reduce_sum3A_25, %div3A : f32
    %mul3A_27 = arith.mulf %get3A_1, %get3A_1 : vector<4096x128xf32>
    %reduce_sum3A_28 = vector.shape_cast %mul3A_27 : vector<4096x128xf32> to vector<1x4096x128xf32>
    %reduce_sum3A_29 = arith.constant dense<0.000000e+00> : vector<1xf32>
    %reduce_sum3A_30 = vector.multi_reduction <add>, %reduce_sum3A_28, %reduce_sum3A_29 [1, 2] : vector<1x4096x128xf32> to vector<1xf32>
    %reduce_sum3A_31 = vector.shape_cast %reduce_sum3A_30 : vector<1xf32> to vector<1x1x1xf32>
    %reduce_sum3A_32 = vector.extract %reduce_sum3A_31[0, 0, 0] : f32 from vector<1x1x1xf32>
    %mul3A_33 = arith.mulf %get3A_4, %get3A_4 : vector<4096x128xf32>
    %reduce_sum3A_34 = vector.shape_cast %mul3A_33 : vector<4096x128xf32> to vector<1x4096x128xf32>
    %reduce_sum3A_35 = arith.constant dense<0.000000e+00> : vector<1xf32>
    %reduce_sum3A_36 = vector.multi_reduction <add>, %reduce_sum3A_34, %reduce_sum3A_35 [1, 2] : vector<1x4096x128xf32> to vector<1xf32>
    %reduce_sum3A_37 = vector.shape_cast %reduce_sum3A_36 : vector<1xf32> to vector<1x1x1xf32>
    %reduce_sum3A_38 = vector.extract %reduce_sum3A_37[0, 0, 0] : f32 from vector<1x1x1xf32>
    %add3A_39 = arith.addf %reduce_sum3A_32, %reduce_sum3A_38 : f32
    %mul3A_40 = arith.mulf %get3A_7, %get3A_7 : vector<4096x128xf32>
    %reduce_sum3A_41 = vector.shape_cast %mul3A_40 : vector<4096x128xf32> to vector<1x4096x128xf32>
    %reduce_sum3A_42 = arith.constant dense<0.000000e+00> : vector<1xf32>
    %reduce_sum3A_43 = vector.multi_reduction <add>, %reduce_sum3A_41, %reduce_sum3A_42 [1, 2] : vector<1x4096x128xf32> to vector<1xf32>
    %reduce_sum3A_44 = vector.shape_cast %reduce_sum3A_43 : vector<1xf32> to vector<1x1x1xf32>
    %reduce_sum3A_45 = vector.extract %reduce_sum3A_44[0, 0, 0] : f32 from vector<1x1x1xf32>
    %add3A_46 = arith.addf %add3A_39, %reduce_sum3A_45 : f32
    %mul3A_47 = arith.constant 5.000000e-06 : f32
    %mul3A_48 = arith.mulf %mul3A_47, %add3A_46 : f32
    %reshape3A = vector.broadcast %div3A_26 : f32 to vector<1x1xf32>
    %swap3A_49 = arith.constant 0 : index
    %swap3A_50 = arith.constant 0 : index
    %swap3A_51 = vector.load %arg5[%swap3A_49, %swap3A_50] : memref<1x1xf32, #tpu.memory_space<vmem>>, vector<1x1xf32>
    tpu.vector_store %arg5[%swap3A_49, %swap3A_50], %reshape3A {strides = array<i32>} : memref<1x1xf32, #tpu.memory_space<vmem>>, vector<1x1xf32>,
    %reshape3A_52 = vector.broadcast %mul3A_48 : f32 to vector<1x1xf32>
    %swap3A_53 = arith.constant 0 : index
    %swap3A_54 = arith.constant 0 : index
    %swap3A_55 = vector.load %arg6[%swap3A_53, %swap3A_54] : memref<1x1xf32, #tpu.memory_space<vmem>>, vector<1x1xf32>
    tpu.vector_store %arg6[%swap3A_53, %swap3A_54], %reshape3A_52 {strides = array<i32>} : memref<1x1xf32, #tpu.memory_space<vmem>>, vector<1x1xf32>,
    %add3A_56 = arith.addf %div3A_26, %mul3A_48 : f32
    %reshape3A_57 = vector.broadcast %add3A_56 : f32 to vector<1x1xf32>
    %swap3A_58 = arith.constant 0 : index
    %swap3A_59 = arith.constant 0 : index
    %swap3A_60 = vector.load %arg4[%swap3A_58, %swap3A_59] : memref<1x1xf32, #tpu.memory_space<vmem>>, vector<1x1xf32>
    tpu.vector_store %arg4[%swap3A_58, %swap3A_59], %reshape3A_57 {strides = array<i32>} : memref<1x1xf32, #tpu.memory_space<vmem>>, vector<1x1xf32>,
    return
  }
}

</mosaic_0001>

<sc_bundles>
// kernel: kernel.11.cloned.1.call-start
scs
__scs_entry_jumppad:
0x0: {  	(pc) =	sbr.rel $0x88, $3  }
0x1: {  	(tag) =	ssettag $0x0;
	lr =	simm.s32 $0x1  }
0x2: {  	[smem:$0x3F98] =	sst lr;
	_ =	strace $0xD0000000  }
0x3: {  	_ = 	snop  }
0x4: {  	_ = 	snop  }
0x5: {  	_ = 	snop  }
0x6: {  	_ = 	snop  }
0x7: {  	_ = 	snop  }
__scs_overlays_trampoline_lowered:
0x8: {  	[smem:$0x3FA7] =	sst s0  }
0x9: {  	[smem:$0x3FA8] =	sst s1  }
0xa: {  	[smem:$0x3FA9] =	sst s2  }
0xb: {  	[smem:$0x3FAA] =	sst s3  }
0xc: {  	[smem:$0x3FAB] =	sst s4  }
0xd: {  	[smem:$0x3FAC] =	sst s5  }
0xe: {  	[smem:$0x3FAD] =	sst s6  }
0xf: {  	[smem:$0x3FAE] =	sst s7  }
0x10: {  	[smem:$0x3FAF] =	sst s8  }
0x11: {  	[smem:$0x3FB0] =	sst s9;
	s0 =	simm.s32 @!p0 $0x0  }
0x12: {  	s1 =	sld [smem:$0x3F96];
	s0 =	simm.s32 @p0 $0x1  }
0x13: {  	[smem:$0x3FB1] =	sst s0;
	s0 =	simm.s32 @!p1 $0x0  }
0x14: {  	s2 =	sld [smem:$0x3F95];
	s0 =	simm.s32 @p1 $0x1  }
0x15: {  	[smem:$0x3FB2] =	sst s0;
	s0 =	simm.s32 @!p2 $0x0  }
0x16: {  	s3 =	sld [smem:$0x3FDB];
	s0 =	simm.s32 @p2 $0x1  }
0x17: {  	s4 =	simm.s32 $0x1BF5;
	[smem:$0x3FB4] =	sst s0  }
0x18: {  	s0 =	sld [smem:$0x3F97];
	_ =	swait.ge [sflag:s4], $0x0  }
0x19: {  	s7 =	sld [smem:$0x3F98]  }
0x1a: {  	s8 =	sadd.s32 $0xFFFFE003, lr  }
0x1b: {  	s9 =	sadd.s32 $0xFFFFFEF7, lr;
	s5 =	simm.s32 $0xFFFFFFFF;
	p2 =	slt.u32 s8, $0xFFFFF086  }
0x1c: {  	p1 =	slt.u32 s9, $0xF7A;
	s5 =	simm.s32 @!p2 $0x0  }
0x1d: {  	s5 =	simm.s32 @p1 $0x1;
	p0 =	seq.s32 s7, s2  }
0x1e: {  	s7 =	smul.u32 @!p0 $0xF7A, s2;
	p2 =	seq.s32 @!p0 s5, $0x0  }
0x1f: {  	s9 =	smul.u32 $0xF7A, s1;
	s8 =	simm.s32 @!p0 $0x1BF5;
	p2 =	por !p2, p0  }
0x20: {  	[sflag:s8] =	ssyncset.s32 @!p0 $0xFFFFF086;
	s6 =	sadd.s32 @!p0 s3, s7;
	s7 =	simm.s32 @!p0 $0x108  }
0x21: {  	s3 =	sadd.s32 s3, s9;
	s6 =	sadd.s32 @!p0 $0x88, s6;
	s7 =	simm.s32 @p2 $0x1082  }
0x22: {  	[simem:s7], [sflag:s8] =	dma.local @!p0 [hbm:s6], $0xF7A  }
0x23: {  	s9 =	sor.u32 $0xD0000000, s2;
	s6 =	simm.s32 $0x108;
	_ =	swait.ge @!p0 [sflag:s8], $0x0  }
0x24: {  	s3 =	sadd.s32 $0x88, s3;
	s6 =	simm.s32 @!p1 $0x1082;
	[sflag:s4] =	ssyncset.s32 $0xFFFFF086  }
0x25: {  	[simem:s6], [sflag:s4] =	dma.local [hbm:s3], $0xF7A  }
0x26: {  	[smem:$0x3F98] =	sst s1;
	(tag) =	ssettag s2;
	_ =	strace s9  }
0x27: {  	s1 =	sld [smem:$0x3FA8]  }
0x28: {  	s2 =	sld [smem:$0x3FA9]  }
0x29: {  	s4 =	sld [smem:$0x3FAB]  }
0x2a: {  	p0 =	seq.s32 s5, $0x0;
	s5 =	sld [smem:$0x3FAC]  }
0x2b: {  	s6 =	sld [smem:$0x3FAD]  }
0x2c: {  	s7 =	sld [smem:$0x3FAE]  }
0x2d: {  	s3 =	simm.s32 $0x108;
	s8 =	sld [smem:$0x3FAF]  }
0x2e: {  	s3 =	simm.s32 @!p0 $0x1082;
	s9 =	sld [smem:$0x3FB0]  }
0x2f: {  	lr =	sadd.s32 s0, s3;
	s0 =	sld [smem:$0x3FA7]  }
0x30: {  	s3 =	sld [smem:$0x3FAA]  }
0x31: {  	[smem:$0x3FB3] =	sst s10  }
0x32: {  	s10 =	sld [smem:$0x3FB1];
	_ =	sdelay $0x3  }
0x33: {  	p0 =	seq.s32 s10, $0x1;
	s10 =	sld [smem:$0x3FB3];
	_ =	sdelay $0x3  }
0x34: {  	[smem:$0x3FB3] =	sst s10  }
0x35: {  	s10 =	sld [smem:$0x3FB2];
	_ =	sdelay $0x3  }
0x36: {  	p1 =	seq.s32 s10, $0x1;
	s10 =	sld [smem:$0x3FB3];
	_ =	sdelay $0x3  }
0x37: {  	[smem:$0x3FB3] =	sst s10  }
0x38: {  	s10 =	sld [smem:$0x3FB4]  }
0x39: {  	_ = 	snop;
	(pc) =	sbr.ind lr, $3  }
0x3a: {  	_ = 	snop  }
0x3b: {  	_ = 	snop  }
0x3c: {  	p2 =	seq.s32 s10, $0x1;
	s10 =	sld [smem:$0x3FB3]  }
0x3d: {  	_ =	shalt  }
0x3e: {  	_ =	shalt  }
0x3f: {  	_ =	shalt  }
0x40: {  	_ =	shalt  }
0x41: {  	_ =	shalt  }
0x42: {  	_ =	shalt  }
0x43: {  	_ =	shalt  }
0x44: {  	_ =	shalt  }
0x45: {  	_ =	shalt  }
0x46: {  	_ =	shalt  }
0x47: {  	_ =	shalt  }
0x48: {  	_ =	shalt  }
0x49: {  	_ =	shalt  }
0x4a: {  	_ =	shalt  }
0x4b: {  	_ =	shalt  }
0x4c: {  	_ =	shalt  }
0x4d: {  	_ =	shalt  }
0x4e: {  	_ =	shalt  }
0x4f: {  	_ =	shalt  }
0x50: {  	_ =	shalt  }
0x51: {  	_ =	shalt  }
0x52: {  	_ =	shalt  }
0x53: {  	_ =	shalt  }
0x54: {  	_ =	shalt  }
0x55: {  	_ =	shalt  }
0x56: {  	_ =	shalt  }
0x57: {  	_ =	shalt  }
0x58: {  	_ =	shalt  }
0x59: {  	_ =	shalt  }
0x5a: {  	_ =	shalt  }
0x5b: {  	_ =	shalt  }
0x5c: {  	_ =	shalt  }
0x5d: {  	_ =	shalt  }
0x5e: {  	_ =	shalt  }
0x5f: {  	_ =	shalt  }
0x60: {  	_ =	shalt  }
0x61: {  	_ =	shalt  }
0x62: {  	_ =	shalt  }
0x63: {  	_ =	shalt  }
0x64: {  	_ =	shalt  }
0x65: {  	_ =	shalt  }
0x66: {  	_ =	shalt  }
0x67: {  	_ =	shalt  }
0x68: {  	_ =	shalt  }
0x69: {  	_ =	shalt  }
0x6a: {  	_ =	shalt  }
0x6b: {  	_ =	shalt  }
0x6c: {  	_ =	shalt  }
0x6d: {  	_ =	shalt  }
0x6e: {  	_ =	shalt  }
0x6f: {  	_ =	shalt  }
0x70: {  	_ =	shalt  }
0x71: {  	_ =	shalt  }
0x72: {  	_ =	shalt  }
0x73: {  	_ =	shalt  }
0x74: {  	_ =	shalt  }
0x75: {  	_ =	shalt  }
0x76: {  	_ =	shalt  }
0x77: {  	_ =	shalt  }
0x78: {  	_ =	shalt  }
0x79: {  	_ =	shalt  }
0x7a: {  	_ =	shalt  }
0x7b: {  	_ =	shalt  }
0x7c: {  	_ =	shalt  }
0x7d: {  	_ =	shalt  }
0x7e: {  	_ =	shalt  }
0x7f: {  	_ =	shalt  }
0x80: {  	_ =	shalt  }
0x81: {  	_ =	shalt  }
0x82: {  	_ =	shalt  }
0x83: {  	_ =	shalt  }
0x84: {  	_ =	shalt  }
0x85: {  	_ =	shalt  }
0x86: {  	_ =	shalt  }
0x87: {  	_ =	shalt  }
.Lfunc_end0:
.L_simem_size_0:
called_computation.1_lowered:
.L_overlay_start_0:
0x88: {  	s2 =	sld [smem:$0x3FD9]  }
0x89: {  	s3 =	sld [smem:$0x3FFE];
	_ =	sdelay $0x1  }
0x8a: {  	s1 =	srdreg.scid  }
0x8b: {  	s0 =	sand.u32 $0x1, s1  }
0x8c: {  	s16 =	sshll.u32 s0, $0xA;
	s2 =	sadd.s32 s3, s2  }
0x8d: {  	s2 =	sadd.s32 s2, s16  }
0x8e: {  	[smem:$0x3FBF] =	sst s2  }
0x8f: {  	_ = 	snop  }
0x90: {  	(tm) =	ssettm $0x1  }
0x91: {  	s17 =	sld [smem:$0x3FFB];
	_ =	sdelay $0x3  }
0x92: {  	_ =	strace s17  }
0x93: {  	s2 =	sld [smem:$0x3FFC];
	_ =	sdelay $0x3  }
0x94: {  	_ =	strace s2  }
0x95: {  	s2 =	sld [smem:$0x3FFD];
	_ =	sdelay $0x3  }
0x96: {  	_ =	strace s2  }
0x97: {  	_ =	strace $0x8FFFFFFF  }
0x98: {  	s18 =	sld [smem:$0x3FDB];
	_ =	sdelay $0x1  }
0x99: {  	s19 =	simm.s32 $_scs_section_size  }
0x9a: {  	s4 =	simm.s32 $_size__tile_overlayer_lowered;
	s5 =	simm.s32 $_tile_overlayer_lowered  }
0x9b: {  	s22 =	simm.s32 $0x1BFF;
	s21 =	sshll.u32 s5, $0x1;
	s2 =	sadd.s32 s19, s18  }
0x9c: {  	s6 =	simm.s32 $0x0;
	s20 =	sshll.u32 s4, $0x1;
	s4 =	sadd.s32 s21, s2  }
0x9d: {  	[timem:s6], [sflag:s22] =	dma.local [hbm:s4], s20  }
0x9e: {  	_ =	swait.ge [sflag:s22], s20  }
0x9f: {  	s3 =	ssub.s32 $0x0, s20;
	[sflag:s22] =	ssyncset.done $0x0  }
0xa0: {  	[sflag:s22] =	ssyncadd.s32 s3;
	_ =	sdelay $0x1  }
0xa1: {  	s23 =	simm.s32 $0x1B8B  }
0xa2: {  	_ =	swait.ge [sflag:s23], $0x1  }
0xa3: {  	[sflag:s23] =	ssyncset.done $0x0  }
0xa4: {  	s25 =	simm.s32 $0x1B8E;
	s24 =	sld [smem:$0x3FFE];
	[sflag:s23] =	ssyncadd.s32 $0xFFFFFFFF  }
0xa5: {  	s26 =	simm.s32 $execute0_lowered;
	[smem:$0x3FD2] =	sst s25  }
0xa6: {  	s4 =	sshll.u32 s26, $0x1;
	_ =	strace $0x80000049;
	[dreg:$0x1] =	wrdreg $0xFFFFFFFF  }
0xa7: {  	s28 =	simm.s32 $_size_execute0_lowered;
	s2 =	sadd.s32 s2, s4;
	[dreg:$0x0] =	wrdreg $0x0  }
0xa8: {  	s4 =	sshll.u32 s28, $0x1;
	[dreg:$0x2] =	wrdreg s2  }
0xa9: {  	[dreg:$0x3] =	wrdreg s4  }
0xaa: {  	[dreg:$0x4] =	wrdreg $0xC0  }
0xab: {  	_ =	task [dreg:s6], $0x5FFFF  }
0xac: {  	[dreg:$0x1] =	wrdreg $0xFFFFFFFF  }
0xad: {  	[dreg:$0x0] =	wrdreg $0x60  }
0xae: {  	[dreg:$0x2] =	wrdreg s24  }
0xaf: {  	[dreg:$0x3] =	wrdreg $0x63000  }
0xb0: {  	[dreg:$0x4] =	wrdreg $0x9  }
0xb1: {  	_ =	task.clear_ibuf [dreg:s6], $0x5FFFF;
	_ =	strace $0x90000049  }
0xb2: {  	s29 =	simm.s32 $0x9;
	_ =	strace $0x8000004B  }
0xb3: {  	_ =	swait.ge [sflag:s29], $0x1  }
0xb4: {  	[sflag:s29] =	ssyncadd.s32 $0xFFFFFFFF  }
0xb5: {  	_ =	strace $0x9000004B  }
0xb6: {  	_ =	sfence  }
0xb7: {  	s30 =	sld [smem:$0x0];
	_ =	sdelay $0x2  }
0xb8: {  	s31 =	sshll.u32 s1, $0xD;
	s1 =	sshrl.u32 s1, $0x2  }
0xb9: {  	s3 =	sand.u32 $0x4000, s31;
	s1 =	sadd.s32 s1, s30  }
0xba: {  	s0 =	sor.u32 s3, s0;
	s1 =	sshll.u32 s1, $0x11  }
0xbb: {  	s0 =	sor.u32 s1, s0  }
0xbc: {  	s0 =	sadd.s32 $0x8F2B, s0  }
0xbd: {  	[sflag:s0] =	ssyncadd.remote.s32 $0x1  }
0xbe: {  	_ =	sfence.sel $0xFFFF  }
0xbf: {  	[dreg:$0x0] =	wrdreg $0xFFFFFFFF;
	(pc) =	sbr.abs _section_cstart, $3  }
0xc0: {  	[dreg:$0x1] =	wrdreg $0xFFFFFFFF  }
0xc1: {  	_ =	task.clear_ibuf [dreg:s6], $0x2FFFF;
	_ =	strace $0x9FFFFFFF  }
0xc2: {  	(tm) =	ssettm $0x7FFFFFFF  }
0xc3: {  	_ =	shalt  }
tec
execute0_lowered:
.L_overlay_start_1:
0x0: {  	(tag) =	ssettag $0x1  }
0x1: {  	s9 =	rddreg [dreg:$0x0]  }
0x2: {  	s2 =	rddreg [dreg:$0x1]  }
0x3: {  	s0 =	rddreg [dreg:$0x2]  }
0x4: {  	s4 =	srdreg.scid;
	s1 =	stileid.u32;
	s3 =	simm.s32 $0x0  }
0x5: {  	s16 =	simm.s32 $0x280;
	s17 =	simm.s32 $0x80;
	s18 =	simm.s32 $0x300  }
0x6: {  	s21 =	simm.s32 $0x200;
	s22 =	simm.s32 $0x4300;
	s11 =	sand.u32 $0x1, s4  }
0x7: {  	s10 =	smul.u32 $0x19000, s1;
	[smem:$0x7FF] =	sst s3;
	s4 =	sadd.s32 $0x32D600, s9  }
0x8: {  	s19 =	simm.s32 $0x1;
	s5 =	sadd.s32 $0x314600, s9;
	s6 =	sadd.s32 $0x349800, s9  }
0x9: {  	s14 =	sshll.u32 s1, $0x6;
	s7 =	smul.u32 $0x190000, s11;
	s13 =	ssub.s32 $0x2, s11  }
0xa: {  	_ =	strace $0x8000004A;
	s20 =	smul.u32 $0x61A8, s11;
	s31 =	sshrl.u32 s13, $0x1  }
0xb: {  	s15 =	sadd.s32 s10, s2;
	s8 =	sadd.s32 s10, s7;
	s7 =	sadd.s32 $0x362800, s9  }
0xc: {  	s13 =	ssub.s32 s13, s31;
	s10 =	sor.u32 $0x1C02, s14;
	s12 =	sshrl.u32 s8, $0x3  }
0xd: {  	s14 =	simm.s32 $0x2;
	s8 =	sadd.s32 $0x311200, s9;
	s12 =	sadd.s32 s12, s9  }
0xe: {  	v0 =	vmov s20;
	s20 =	simm.s32 $0x100;
	s9 =	smul.u32 $0xC800, s1;
	s11 =	sadd.s32 $0x3C4400, s12  }
0xf: {  	s12 =	smax.u32 s13, $0x1;
	s13 =	sshrl.u32 s15, $0x3;
	s15 =	simm.s32 $0x180  }
.LBB2_1:
0x10: {  	[spmem:s13], [sflag:s10] =	dma.local [hbm:s8], $0x3200  }
0x11: {  	_ =	swait.ge [sflag:s14], $0x3200  }
0x12: {  	[sflag:s14] =	ssyncset.done $0x0  }
0x13: {  	[sflag:s14] =	ssyncadd.s32 $0xFFFFCE00  }
0x14: {  	s23 =	simm.s32 $0x0;
	[bflag:$0x0] =	sbarrier.arrive $0xFFFF  }
.LBB2_2:
0x15: {  	s24 =	sshll.u32 s23, $0x7  }
0x16: {  	s24 =	sadd.s32 s9, s24  }
0x17: {  	s25 =	sshrl.u32 s24, $0x3  }
0x18: {  	s30 =	simm.s32 $0x0;
	s26 =	sadd.s32 s4, s25  }
0x19: {  	[tilespmem:s30], [sflag:$0x2] =	stream.linear.gather [hbm4b:s26+s30], $0x80, $0x38;
	[tilespmem:$0x1F300] =	vst v63  }
0x1a: {  	_ =	swait.ge [sflag:s14], $0x80  }
0x1b: {  	[sflag:s14] =	ssyncset.done $0x0  }
0x1c: {  	s31 =	sadd.s32 s5, s25;
	[sflag:s14] =	ssyncadd.s32 $0xFFFFFF80  }
0x1d: {  	[tilespmem:s15], [sflag:$0x2] =	stream.linear.gather [hbm4b:s31+s30], $0x80, $0x38;
	[tilespmem:$0x1F300] =	vst v63  }
0x1e: {  	_ =	swait.ge [sflag:s14], $0x80  }
0x1f: {  	[sflag:s14] =	ssyncset.done $0x0  }
0x20: {  	s25 =	sadd.s32 s6, s25;
	[sflag:s14] =	ssyncadd.s32 $0xFFFFFF80  }
0x21: {  	[tilespmem:s16], [sflag:$0x2] =	stream.linear.gather [hbm4b:s25+s30], $0x80, $0x38;
	[tilespmem:$0x1F300] =	vst v63  }
0x22: {  	_ =	swait.ge [sflag:s14], $0x80  }
0x23: {  	[sflag:s14] =	ssyncset.done $0x0  }
0x24: {  	[sflag:s14] =	ssyncadd.s32 $0xFFFFFF80  }
0x25: {  	v1 =	vld [tilespmem:$0x0]  }
0x26: {  	v2 =	vld [tilespmem:$0x180];
	_ =	sdelay $0x1  }
0x27: {  	v3 =	vld [tilespmem:$0x10]  }
0x28: {  	v4 =	vld [tilespmem:$0x190]  }
0x29: {  	v5 =	vshra.s32 v1, $0x1  }
0x2a: {  	v1 =	vand.u32 $0x1, v1;
	v2 =	vsub.s32 v2, v0;
	[tilespmem:$0x80] =	vst v5;
	v5 =	vld [tilespmem:$0x20]  }
0x2b: {  	[tilespmem:$0x100] =	vst v1;
	v1 =	vmin.u32 v2, $0x61A8;
	v2 =	vld [tilespmem:$0x1A0]  }
0x2c: {  	[tilespmem:$0x200] =	vst v1;
	v1 =	vshra.s32 v3, $0x1  }
0x2d: {  	[tilespmem:$0x90] =	vst v1;
	v1 =	vand.u32 $0x1, v3;
	v3 =	vsub.s32 v4, v0;
	v4 =	vld [tilespmem:$0x30]  }
0x2e: {  	[tilespmem:$0x110] =	vst v1;
	v1 =	vmin.u32 v3, $0x61A8;
	v3 =	vld [tilespmem:$0x1B0]  }
0x2f: {  	[tilespmem:$0x210] =	vst v1;
	v1 =	vshra.s32 v5, $0x1  }
0x30: {  	v2 =	vsub.s32 v2, v0;
	[tilespmem:$0xA0] =	vst v1;
	v1 =	vand.u32 $0x1, v5;
	v5 =	vld [tilespmem:$0x40]  }
0x31: {  	[tilespmem:$0x120] =	vst v1;
	v1 =	vmin.u32 v2, $0x61A8;
	v2 =	vld [tilespmem:$0x1C0]  }
0x32: {  	[tilespmem:$0x220] =	vst v1;
	v1 =	vshra.s32 v4, $0x1  }
0x33: {  	v3 =	vsub.s32 v3, v0;
	[tilespmem:$0xB0] =	vst v1;
	v1 =	vand.u32 $0x1, v4;
	v4 =	vld [tilespmem:$0x50]  }
0x34: {  	[tilespmem:$0x130] =	vst v1;
	v1 =	vmin.u32 v3, $0x61A8;
	v3 =	vld [tilespmem:$0x1D0]  }
0x35: {  	[tilespmem:$0x230] =	vst v1;
	v1 =	vshra.s32 v5, $0x1  }
0x36: {  	[tilespmem:$0xC0] =	vst v1;
	v1 =	vand.u32 $0x1, v5;
	v2 =	vsub.s32 v2, v0;
	v5 =	vld [tilespmem:$0x60]  }
0x37: {  	[tilespmem:$0x140] =	vst v1;
	v1 =	vmin.u32 v2, $0x61A8;
	v2 =	vld [tilespmem:$0x1E0]  }
0x38: {  	[tilespmem:$0x240] =	vst v1;
	v1 =	vshra.s32 v4, $0x1  }
0x39: {  	[tilespmem:$0xD0] =	vst v1;
	v1 =	vand.u32 $0x1, v4;
	v3 =	vsub.s32 v3, v0;
	v4 =	vld [tilespmem:$0x70]  }
0x3a: {  	[tilespmem:$0x150] =	vst v1;
	v1 =	vmin.u32 v3, $0x61A8;
	v3 =	vld [tilespmem:$0x1F0]  }
0x3b: {  	[tilespmem:$0x250] =	vst v1;
	v1 =	vshra.s32 v5, $0x1  }
0x3c: {  	[tilespmem:$0xE0] =	vst v1;
	v1 =	vand.u32 $0x1, v5;
	v2 =	vsub.s32 v2, v0  }
0x3d: {  	[tilespmem:$0x160] =	vst v1;
	v1 =	vmin.u32 v2, $0x61A8  }
0x3e: {  	[tilespmem:$0x260] =	vst v1;
	v1 =	vshra.s32 v4, $0x1  }
0x3f: {  	[tilespmem:$0xF0] =	vst v1;
	v1 =	vand.u32 $0x1, v4;
	v2 =	vsub.s32 v3, v0  }
0x40: {  	[tilespmem:$0x170] =	vst v1;
	v1 =	vmin.u32 v2, $0x61A8  }
0x41: {  	[tilespmem:$0x270] =	vst v1  }
0x42: {  	v1 =	vmov s30;
	[tilespmem:s18], [sflag:$0x1] =	stream.indirect.gather [hbm4b:s7+s17], $0x80, s17, s17, $0xb8;
	[tilespmem:$0x1F300] =	vst v63  }
0x43: {  	_ =	swait.ge [sflag:s19], $0x4000  }
0x44: {  	[sflag:s19] =	ssyncset.done $0x0  }
0x45: {  	s25 =	simm.s32 $0x340;
	[sflag:s19] =	ssyncadd.s32 $0xFFFFC000  }
0x46: {  	v2 =	vld [tilespmem:s25+$0x0]  }
0x47: {  	v3 =	vld.idx.msk [tilespmem:v1+s20+$0x0], $0xffff  }
0x48: {  	v4 =	vld [tilespmem:s25+$0xFFFFFFC0]  }
0x49: {  	v1 =	vld.idx.msk [tilespmem:v1+s16+$0x0], $0xffff;
	_ =	sdelay $0x2  }
0x4a: {  	vm0 =	veq.s32 v3, $0x1  }
0x4b: {  	v2 =	vsel vm0, v2, v4  }
0x4c: {  	v2 =	vmul.f32 v2, v1  }
0x4d: {  	s24 =	simm.s32 $0x4320  }
0x4e: {  	[tilespmem:s24+$0xFFFFFFE0] =	vst v2  }
0x4f: {  	v2 =	vld [tilespmem:s25+$0xFFFFFFD0]  }
0x50: {  	v3 =	vld [tilespmem:s25+$0x10];
	_ =	sdelay $0x4  }
0x51: {  	v2 =	vsel vm0, v3, v2  }
0x52: {  	v2 =	vmul.f32 v2, v1;
	_ =	sdelay $0x1  }
0x53: {  	[tilespmem:s24+$0xFFFFFFF0] =	vst v2  }
0x54: {  	v2 =	vld [tilespmem:s25+$0xFFFFFFE0]  }
0x55: {  	v3 =	vld [tilespmem:s25+$0x20];
	_ =	sdelay $0x4  }
0x56: {  	v2 =	vsel vm0, v3, v2  }
0x57: {  	v2 =	vmul.f32 v2, v1;
	_ =	sdelay $0x1  }
0x58: {  	[tilespmem:s24+$0x0] =	vst v2  }
0x59: {  	v2 =	vld [tilespmem:s25+$0xFFFFFFF0]  }
0x5a: {  	s28 =	simm.s32 $0x1;
	s29 =	simm.s32 $0x2;
	s26 =	simm.s32 $0x4320;
	v3 =	vld [tilespmem:s25+$0x30]  }
.LBB2_3:
0x5b: {  	_ =	sdelay $0x2  }
0x5c: {  	s24 =	sadd.s32 $0x40, s24  }
0x5d: {  	v4 =	vmov s28;
	s25 =	sadd.s32 $0x80, s25;
	s28 =	smov.u32 s29;
	s30 =	sadd.s32 $0x1, s29;
	v2 =	vsel vm0, v3, v2  }
0x5e: {  	p0 =	sne.s32 s29, $0x7F;
	v1 =	vmul.f32 v2, v1;
	_ =	sdelay $0x1  }
0x5f: {  	[tilespmem:s26+$0x10] =	vst v1;
	s26 =	smov.u32 s24  }
0x60: {  	v2 =	vld [tilespmem:s25+$0x0]  }
0x61: {  	v3 =	vld.idx.msk [tilespmem:v4+s20+$0x0], $0xffff  }
0x62: {  	v5 =	vld [tilespmem:s25+$0xFFFFFFC0]  }
0x63: {  	v1 =	vld.idx.msk [tilespmem:v4+s16+$0x0], $0xffff;
	_ =	sdelay $0x3  }
0x64: {  	vm0 =	veq.s32 v3, $0x1  }
0x65: {  	v2 =	vsel vm0, v2, v5  }
0x66: {  	v2 =	vmul.f32 v2, v1;
	_ =	sdelay $0x1  }
0x67: {  	[tilespmem:s24+$0xFFFFFFE0] =	vst v2  }
0x68: {  	v2 =	vld [tilespmem:s25+$0xFFFFFFD0]  }
0x69: {  	v3 =	vld [tilespmem:s25+$0x10];
	_ =	sdelay $0x4  }
0x6a: {  	v2 =	vsel vm0, v3, v2  }
0x6b: {  	v2 =	vmul.f32 v2, v1;
	_ =	sdelay $0x1  }
0x6c: {  	[tilespmem:s24+$0xFFFFFFF0] =	vst v2  }
0x6d: {  	v2 =	vld [tilespmem:s25+$0xFFFFFFE0]  }
0x6e: {  	v3 =	vld [tilespmem:s25+$0x20];
	_ =	sdelay $0x4  }
0x6f: {  	v2 =	vsel vm0, v3, v2  }
.Ltmp0:
0x70: {  	v2 =	vmul.f32 v2, v1;
	(pc) =	sbr.rel @p0 .LBB2_3-.Ltmp0, $4  }
0x71: {  	_ = 	snop  }
0x72: {  	[tilespmem:s24+$0x0] =	vst v2  }
0x73: {  	v2 =	vld [tilespmem:s25+$0xFFFFFFF0]  }
0x74: {  	s29 =	smov.u32 s30;
	v3 =	vld [tilespmem:s25+$0x30]  }
0x75: {  	_ =	sdelay $0x3  }
0x76: {  	v4 =	vmov s28;
	v2 =	vsel vm0, v3, v2  }
0x77: {  	v1 =	vmul.f32 v2, v1;
	_ =	sdelay $0x1  }
0x78: {  	s25 =	sadd.s32 $0x80, s25;
	[tilespmem:s26+$0x10] =	vst v1  }
0x79: {  	v1 =	vld [tilespmem:s25+$0x0]  }
0x7a: {  	v2 =	vld.idx.msk [tilespmem:v4+s20+$0x0], $0xffff  }
0x7b: {  	v3 =	vld [tilespmem:s25+$0xFFFFFFC0]  }
0x7c: {  	v4 =	vld.idx.msk [tilespmem:v4+s16+$0x0], $0xffff;
	_ =	sdelay $0x2  }
0x7d: {  	vm15 =	veq.s32 v2, $0x1  }
0x7e: {  	v1 =	vsel vm15, v1, v3  }
0x7f: {  	v1 =	vmul.f32 v1, v4  }
0x80: {  	s24 =	sadd.s32 $0x40, s24  }
0x81: {  	[tilespmem:s24+$0xFFFFFFE0] =	vst v1  }
0x82: {  	v1 =	vld [tilespmem:s25+$0xFFFFFFD0]  }
0x83: {  	v2 =	vld [tilespmem:s25+$0x10];
	_ =	sdelay $0x4  }
0x84: {  	v1 =	vsel vm15, v2, v1  }
0x85: {  	v1 =	vmul.f32 v1, v4;
	_ =	sdelay $0x1  }
0x86: {  	[tilespmem:s24+$0xFFFFFFF0] =	vst v1  }
0x87: {  	v1 =	vld [tilespmem:s25+$0xFFFFFFE0]  }
0x88: {  	v2 =	vld [tilespmem:s25+$0x20];
	_ =	sdelay $0x4  }
0x89: {  	v1 =	vsel vm15, v2, v1  }
0x8a: {  	v1 =	vmul.f32 v1, v4;
	_ =	sdelay $0x1  }
0x8b: {  	[tilespmem:s24+$0x0] =	vst v1  }
0x8c: {  	v1 =	vld [tilespmem:s25+$0xFFFFFFF0]  }
0x8d: {  	v2 =	vld [tilespmem:s25+$0x30];
	_ =	sdelay $0x4  }
0x8e: {  	v1 =	vsel vm15, v2, v1  }
0x8f: {  	s23 =	sadd.s32 $0x1, s23;
	v1 =	vmul.f32 v1, v4  }
0x90: {  	p0 =	sne.s32 s23, $0x190  }
.Ltmp1:
0x91: {  	[tilespmem:s24+$0x10] =	vst v1;
	(pc) =	sbr.rel @p0 .LBB2_2-.Ltmp1, $4  }
0x92: {  	[spmem:s2] =	stream.indirect.scatter.add.f32 [tilespmem:s22], [sflag:$0x2], $0x40, s21, s17, $0xb8;
	[tilespmem:$0x1F300] =	vst v63  }
0x93: {  	_ =	swait.ge [sflag:s14], $0x2000  }
0x94: {  	[sflag:s14] =	ssyncset.done $0x0  }
0x95: {  	[sflag:s14] =	ssyncadd.s32 $0xFFFFE000  }
0x96: {  	s3 =	sadd.s32 $0x1, s3  }
0x97: {  	p0 =	sne.s32 s3, s12  }
.Ltmp2:
0x98: {  	[bflag:$0x0] =	sbarrier.arrive $0xFFFF;
	(pc) =	sbr.rel @p0 .LBB2_1-.Ltmp2, $4  }
0x99: {  	[hbm:s11], [sflag:s10] =	dma.local [spmem:s13], $0x3200  }
0x9a: {  	_ =	swait.ge [sflag:s14], $0x3200  }
0x9b: {  	[sflag:s14] =	ssyncset.done $0x0  }
0x9c: {  	[sflag:s14] =	ssyncadd.s32 $0xFFFFCE00  }
0x9d: {  	_ =	sfence.sel $0x180000  }
0x9e: {  	[bflag:$0x0] =	sbarrier.arrive $0xFFFF  }
0x9f: {  	p0 =	sne.s32 s1, $0x0;
	_ =	strace $0x9000004A  }
0xa0: {  	s0 =	sadd.s32 @!p0 $0x100000, s0;
	[bflag:$0x2] =	sbarrier.arrive $0xFFFF  }
0xa1: {  	[sflag:s0] =	ssyncadd.tile.s32 @!p0 $0x1;
	_ =	shalt  }
.Lfunc_end2:
_tile_overlayer_lowered:
.L_overlay_start_2:
0xa2: {  	(tag) =	ssettag $0x2  }
0xa3: {  	s0 =	rddreg [dreg:$0x0];
	s2 =	stileid.u32  }
0xa4: {  	s1 =	rddreg [dreg:$0x1];
	p0 =	sne.s32 s2, $0x0  }
0xa5: {  	s3 =	rddreg [dreg:$0x2];
	[bflag:$0x3] =	sbarrier.arrive $0xFFFF;
	s2 =	simm.s32 @!p0 $0x1C02  }
0xa6: {  	[timem:s3], [sflag:s2] =	dma.local @!p0 [hbm:s0], s1  }
0xa7: {  	s0 =	simm.s32 @!p0 $0x2  }
0xa8: {  	_ =	swait.ge @!p0 [sflag:s0], s1  }
0xa9: {  	s1 =	ssub.s32 @!p0 $0x0, s1;
	[sflag:s0] =	ssyncset.done @!p0 $0x0  }
0xaa: {  	[sflag:s0] =	ssyncadd.s32 @!p0 s1  }
0xab: {  	[bflag:$0x3] =	sbarrier.arrive $0xFFFF  }
0xac: {  	_ =	shalt  }

// kernel: kernel.14.cloned.1.call-start
scs
__scs_entry_jumppad:
0x0: {  	(pc) =	sbr.rel $0x88, $3  }
0x1: {  	(tag) =	ssettag $0x0;
	lr =	simm.s32 $0x1  }
0x2: {  	[smem:$0x3F98] =	sst lr;
	_ =	strace $0xD0000000  }
0x3: {  	_ = 	snop  }
0x4: {  	_ = 	snop  }
0x5: {  	_ = 	snop  }
0x6: {  	_ = 	snop  }
0x7: {  	_ = 	snop  }
__scs_overlays_trampoline_lowered:
0x8: {  	[smem:$0x3FA7] =	sst s0  }
0x9: {  	[smem:$0x3FA8] =	sst s1  }
0xa: {  	[smem:$0x3FA9] =	sst s2  }
0xb: {  	[smem:$0x3FAA] =	sst s3  }
0xc: {  	[smem:$0x3FAB] =	sst s4  }
0xd: {  	[smem:$0x3FAC] =	sst s5  }
0xe: {  	[smem:$0x3FAD] =	sst s6  }
0xf: {  	[smem:$0x3FAE] =	sst s7  }
0x10: {  	[smem:$0x3FAF] =	sst s8  }
0x11: {  	[smem:$0x3FB0] =	sst s9;
	s0 =	simm.s32 @!p0 $0x0  }
0x12: {  	s1 =	sld [smem:$0x3F96];
	s0 =	simm.s32 @p0 $0x1  }
0x13: {  	[smem:$0x3FB1] =	sst s0;
	s0 =	simm.s32 @!p1 $0x0  }
0x14: {  	s2 =	sld [smem:$0x3F95];
	s0 =	simm.s32 @p1 $0x1  }
0x15: {  	[smem:$0x3FB2] =	sst s0;
	s0 =	simm.s32 @!p2 $0x0  }
0x16: {  	s3 =	sld [smem:$0x3FDB];
	s0 =	simm.s32 @p2 $0x1  }
0x17: {  	s4 =	simm.s32 $0x1BF5;
	[smem:$0x3FB4] =	sst s0  }
0x18: {  	s0 =	sld [smem:$0x3F97];
	_ =	swait.ge [sflag:s4], $0x0  }
0x19: {  	s7 =	sld [smem:$0x3F98]  }
0x1a: {  	s8 =	sadd.s32 $0xFFFFE003, lr  }
0x1b: {  	s9 =	sadd.s32 $0xFFFFFEF7, lr;
	s5 =	simm.s32 $0xFFFFFFFF;
	p2 =	slt.u32 s8, $0xFFFFF086  }
0x1c: {  	p1 =	slt.u32 s9, $0xF7A;
	s5 =	simm.s32 @!p2 $0x0  }
0x1d: {  	s5 =	simm.s32 @p1 $0x1;
	p0 =	seq.s32 s7, s2  }
0x1e: {  	s7 =	smul.u32 @!p0 $0xF7A, s2;
	p2 =	seq.s32 @!p0 s5, $0x0  }
0x1f: {  	s9 =	smul.u32 $0xF7A, s1;
	s8 =	simm.s32 @!p0 $0x1BF5;
	p2 =	por !p2, p0  }
0x20: {  	[sflag:s8] =	ssyncset.s32 @!p0 $0xFFFFF086;
	s6 =	sadd.s32 @!p0 s3, s7;
	s7 =	simm.s32 @!p0 $0x108  }
0x21: {  	s3 =	sadd.s32 s3, s9;
	s6 =	sadd.s32 @!p0 $0x88, s6;
	s7 =	simm.s32 @p2 $0x1082  }
0x22: {  	[simem:s7], [sflag:s8] =	dma.local @!p0 [hbm:s6], $0xF7A  }
0x23: {  	s9 =	sor.u32 $0xD0000000, s2;
	s6 =	simm.s32 $0x108;
	_ =	swait.ge @!p0 [sflag:s8], $0x0  }
0x24: {  	s3 =	sadd.s32 $0x88, s3;
	s6 =	simm.s32 @!p1 $0x1082;
	[sflag:s4] =	ssyncset.s32 $0xFFFFF086  }
0x25: {  	[simem:s6], [sflag:s4] =	dma.local [hbm:s3], $0xF7A  }
0x26: {  	[smem:$0x3F98] =	sst s1;
	(tag) =	ssettag s2;
	_ =	strace s9  }
0x27: {  	s1 =	sld [smem:$0x3FA8]  }
0x28: {  	s2 =	sld [smem:$0x3FA9]  }
0x29: {  	s4 =	sld [smem:$0x3FAB]  }
0x2a: {  	p0 =	seq.s32 s5, $0x0;
	s5 =	sld [smem:$0x3FAC]  }
0x2b: {  	s6 =	sld [smem:$0x3FAD]  }
0x2c: {  	s7 =	sld [smem:$0x3FAE]  }
0x2d: {  	s3 =	simm.s32 $0x108;
	s8 =	sld [smem:$0x3FAF]  }
0x2e: {  	s3 =	simm.s32 @!p0 $0x1082;
	s9 =	sld [smem:$0x3FB0]  }
0x2f: {  	lr =	sadd.s32 s0, s3;
	s0 =	sld [smem:$0x3FA7]  }
0x30: {  	s3 =	sld [smem:$0x3FAA]  }
0x31: {  	[smem:$0x3FB3] =	sst s10  }
0x32: {  	s10 =	sld [smem:$0x3FB1];
	_ =	sdelay $0x3  }
0x33: {  	p0 =	seq.s32 s10, $0x1;
	s10 =	sld [smem:$0x3FB3];
	_ =	sdelay $0x3  }
0x34: {  	[smem:$0x3FB3] =	sst s10  }
0x35: {  	s10 =	sld [smem:$0x3FB2];
	_ =	sdelay $0x3  }
0x36: {  	p1 =	seq.s32 s10, $0x1;
	s10 =	sld [smem:$0x3FB3];
	_ =	sdelay $0x3  }
0x37: {  	[smem:$0x3FB3] =	sst s10  }
0x38: {  	s10 =	sld [smem:$0x3FB4]  }
0x39: {  	_ = 	snop;
	(pc) =	sbr.ind lr, $3  }
0x3a: {  	_ = 	snop  }
0x3b: {  	_ = 	snop  }
0x3c: {  	p2 =	seq.s32 s10, $0x1;
	s10 =	sld [smem:$0x3FB3]  }
0x3d: {  	_ =	shalt  }
0x3e: {  	_ =	shalt  }
0x3f: {  	_ =	shalt  }
0x40: {  	_ =	shalt  }
0x41: {  	_ =	shalt  }
0x42: {  	_ =	shalt  }
0x43: {  	_ =	shalt  }
0x44: {  	_ =	shalt  }
0x45: {  	_ =	shalt  }
0x46: {  	_ =	shalt  }
0x47: {  	_ =	shalt  }
0x48: {  	_ =	shalt  }
0x49: {  	_ =	shalt  }
0x4a: {  	_ =	shalt  }
0x4b: {  	_ =	shalt  }
0x4c: {  	_ =	shalt  }
0x4d: {  	_ =	shalt  }
0x4e: {  	_ =	shalt  }
0x4f: {  	_ =	shalt  }
0x50: {  	_ =	shalt  }
0x51: {  	_ =	shalt  }
0x52: {  	_ =	shalt  }
0x53: {  	_ =	shalt  }
0x54: {  	_ =	shalt  }
0x55: {  	_ =	shalt  }
0x56: {  	_ =	shalt  }
0x57: {  	_ =	shalt  }
0x58: {  	_ =	shalt  }
0x59: {  	_ =	shalt  }
0x5a: {  	_ =	shalt  }
0x5b: {  	_ =	shalt  }
0x5c: {  	_ =	shalt  }
0x5d: {  	_ =	shalt  }
0x5e: {  	_ =	shalt  }
0x5f: {  	_ =	shalt  }
0x60: {  	_ =	shalt  }
0x61: {  	_ =	shalt  }
0x62: {  	_ =	shalt  }
0x63: {  	_ =	shalt  }
0x64: {  	_ =	shalt  }
0x65: {  	_ =	shalt  }
0x66: {  	_ =	shalt  }
0x67: {  	_ =	shalt  }
0x68: {  	_ =	shalt  }
0x69: {  	_ =	shalt  }
0x6a: {  	_ =	shalt  }
0x6b: {  	_ =	shalt  }
0x6c: {  	_ =	shalt  }
0x6d: {  	_ =	shalt  }
0x6e: {  	_ =	shalt  }
0x6f: {  	_ =	shalt  }
0x70: {  	_ =	shalt  }
0x71: {  	_ =	shalt  }
0x72: {  	_ =	shalt  }
0x73: {  	_ =	shalt  }
0x74: {  	_ =	shalt  }
0x75: {  	_ =	shalt  }
0x76: {  	_ =	shalt  }
0x77: {  	_ =	shalt  }
0x78: {  	_ =	shalt  }
0x79: {  	_ =	shalt  }
0x7a: {  	_ =	shalt  }
0x7b: {  	_ =	shalt  }
0x7c: {  	_ =	shalt  }
0x7d: {  	_ =	shalt  }
0x7e: {  	_ =	shalt  }
0x7f: {  	_ =	shalt  }
0x80: {  	_ =	shalt  }
0x81: {  	_ =	shalt  }
0x82: {  	_ =	shalt  }
0x83: {  	_ =	shalt  }
0x84: {  	_ =	shalt  }
0x85: {  	_ =	shalt  }
0x86: {  	_ =	shalt  }
0x87: {  	_ =	shalt  }
.Lfunc_end0:
.L_simem_size_0:
called_computation.2_lowered:
.L_overlay_start_0:
0x88: {  	s2 =	sld [smem:$0x3FD9]  }
0x89: {  	s3 =	sld [smem:$0x3FFE];
	_ =	sdelay $0x1  }
0x8a: {  	s1 =	srdreg.scid  }
0x8b: {  	s0 =	sand.u32 $0x1, s1  }
0x8c: {  	s16 =	sshll.u32 s0, $0xA;
	s2 =	sadd.s32 s3, s2  }
0x8d: {  	s2 =	sadd.s32 s2, s16  }
0x8e: {  	[smem:$0x3FBF] =	sst s2  }
0x8f: {  	_ = 	snop  }
0x90: {  	(tm) =	ssettm $0x1  }
0x91: {  	s17 =	sld [smem:$0x3FFB];
	_ =	sdelay $0x3  }
0x92: {  	_ =	strace s17  }
0x93: {  	s2 =	sld [smem:$0x3FFC];
	_ =	sdelay $0x3  }
0x94: {  	_ =	strace s2  }
0x95: {  	s2 =	sld [smem:$0x3FFD];
	_ =	sdelay $0x3  }
0x96: {  	_ =	strace s2  }
0x97: {  	_ =	strace $0x8FFFFFFF  }
0x98: {  	s18 =	sld [smem:$0x3FDB];
	_ =	sdelay $0x1  }
0x99: {  	s19 =	simm.s32 $_scs_section_size  }
0x9a: {  	s4 =	simm.s32 $_size__tile_overlayer_lowered;
	s5 =	simm.s32 $_tile_overlayer_lowered  }
0x9b: {  	s22 =	simm.s32 $0x1BFF;
	s21 =	sshll.u32 s5, $0x1;
	s2 =	sadd.s32 s19, s18  }
0x9c: {  	s6 =	simm.s32 $0x0;
	s20 =	sshll.u32 s4, $0x1;
	s4 =	sadd.s32 s21, s2  }
0x9d: {  	[timem:s6], [sflag:s22] =	dma.local [hbm:s4], s20  }
0x9e: {  	_ =	swait.ge [sflag:s22], s20  }
0x9f: {  	s3 =	ssub.s32 $0x0, s20;
	[sflag:s22] =	ssyncset.done $0x0  }
0xa0: {  	[sflag:s22] =	ssyncadd.s32 s3;
	_ =	sdelay $0x1  }
0xa1: {  	s23 =	simm.s32 $0x1B8B  }
0xa2: {  	_ =	swait.ge [sflag:s23], $0x1  }
0xa3: {  	[sflag:s23] =	ssyncset.done $0x0  }
0xa4: {  	s25 =	simm.s32 $0x1B8E;
	s24 =	sld [smem:$0x3FFE];
	[sflag:s23] =	ssyncadd.s32 $0xFFFFFFFF  }
0xa5: {  	s26 =	simm.s32 $execute0_lowered;
	[smem:$0x3FD2] =	sst s25  }
0xa6: {  	s4 =	sshll.u32 s26, $0x1;
	_ =	strace $0x8000004C;
	[dreg:$0x1] =	wrdreg $0xFFFFFFFF  }
0xa7: {  	s28 =	simm.s32 $_size_execute0_lowered;
	s2 =	sadd.s32 s2, s4;
	[dreg:$0x0] =	wrdreg $0x0  }
0xa8: {  	s4 =	sshll.u32 s28, $0x1;
	[dreg:$0x2] =	wrdreg s2  }
0xa9: {  	[dreg:$0x3] =	wrdreg s4  }
0xaa: {  	[dreg:$0x4] =	wrdreg $0xC0  }
0xab: {  	_ =	task [dreg:s6], $0x5FFFF  }
0xac: {  	[dreg:$0x1] =	wrdreg $0xFFFFFFFF  }
0xad: {  	[dreg:$0x0] =	wrdreg $0x60  }
0xae: {  	[dreg:$0x2] =	wrdreg s24  }
0xaf: {  	[dreg:$0x3] =	wrdreg $0x9  }
0xb0: {  	_ =	task.clear_ibuf [dreg:s6], $0x4FFFF;
	_ =	strace $0x9000004C  }
0xb1: {  	s29 =	simm.s32 $0x9;
	_ =	strace $0x8000004E  }
0xb2: {  	_ =	swait.ge [sflag:s29], $0x1  }
0xb3: {  	[sflag:s29] =	ssyncadd.s32 $0xFFFFFFFF  }
0xb4: {  	_ =	strace $0x9000004E  }
0xb5: {  	_ =	sfence  }
0xb6: {  	s30 =	sld [smem:$0x0];
	_ =	sdelay $0x2  }
0xb7: {  	s31 =	sshll.u32 s1, $0xD;
	s1 =	sshrl.u32 s1, $0x2  }
0xb8: {  	s3 =	sand.u32 $0x4000, s31;
	s1 =	sadd.s32 s1, s30  }
0xb9: {  	s0 =	sor.u32 s3, s0;
	s1 =	sshll.u32 s1, $0x11  }
0xba: {  	s0 =	sor.u32 s1, s0  }
0xbb: {  	s0 =	sadd.s32 $0x8F2B, s0  }
0xbc: {  	[sflag:s0] =	ssyncadd.remote.s32 $0x1  }
0xbd: {  	_ =	sfence.sel $0xFFFF  }
0xbe: {  	[dreg:$0x0] =	wrdreg $0xFFFFFFFF;
	(pc) =	sbr.abs _section_cstart, $3  }
0xbf: {  	[dreg:$0x1] =	wrdreg $0xFFFFFFFF  }
0xc0: {  	_ =	task.clear_ibuf [dreg:s6], $0x2FFFF;
	_ =	strace $0x9FFFFFFF  }
0xc1: {  	(tm) =	ssettm $0x7FFFFFFF  }
tec
execute0_lowered:
.L_overlay_start_1:
0x0: {  	(tag) =	ssettag $0x1  }
0x1: {  	s1 =	srdreg.scid;
	s0 =	stileid.u32  }
0x2: {  	s12 =	sand.u32 $0x1, s1;
	s28 =	sshll.u32 s0, $0x1  }
0x3: {  	s8 =	sor.u32 s12, s28  }
0x4: {  	s9 =	rddreg [dreg:$0x0];
	s11 =	smul.u32 $0x180, s8  }
0x5: {  	s2 =	simm.s32 $0x0;
	s1 =	rddreg [dreg:$0x1]  }
0x6: {  	[smem:$0x7FF] =	sst s2;
	s13 =	sadd.s32 $0x428400, s9;
	s3 =	sshrl.u32 s11, $0x3  }
0x7: {  	_ =	strace $0x8000004D;
	s4 =	sadd.s32 s13, s3;
	s3 =	simm.s32 $0x2  }
0x8: {  	[tilespmem:s2], [sflag:$0x2] =	stream.linear.gather [hbm4b:s4+s2], $0x80, $0x38;
	[tilespmem:$0x4080] =	vst v63  }
0x9: {  	_ =	swait.ge [sflag:s3], $0x80  }
0xa: {  	s6 =	simm.s32 $0x80;
	[sflag:s3] =	ssyncset.done $0x0  }
0xb: {  	s7 =	simm.s32 $0x1;
	s5 =	sadd.s32 $0x311200, s9;
	[sflag:s3] =	ssyncadd.s32 $0xFFFFFF80  }
0xc: {  	[tilespmem:s6], [sflag:$0x1] =	stream.indirect.gather [hbm4b:s5+s6], $0x80, s2, s6, $0xb8;
	[tilespmem:$0x4080] =	vst v63  }
0xd: {  	s8 =	smul.u32 $0x1800, s8;
	_ =	swait.ge [sflag:s7], $0x4000  }
0xe: {  	s14 =	sadd.s32 $0x3D4800, s9;
	[sflag:s7] =	ssyncset.done $0x0  }
0xf: {  	s8 =	sadd.s32 s14, s8;
	[sflag:s7] =	ssyncadd.s32 $0xFFFFC000  }
0x10: {  	[hbm4b:s8+s2] =	stream.linear.scatter [tilespmem:s6], [sflag:$0x2], $0x4000, $0x38;
	[tilespmem:$0x4080] =	vst v63  }
0x11: {  	s10 =	sadd.s32 $0x80, s11;
	_ =	swait.ge [sflag:s3], $0x4000  }
0x12: {  	s29 =	sshrl.u32 s10, $0x3;
	[sflag:s3] =	ssyncset.done $0x0  }
0x13: {  	s9 =	sadd.s32 s13, s29;
	[sflag:s3] =	ssyncadd.s32 $0xFFFFC000  }
0x14: {  	[tilespmem:s2], [sflag:$0x2] =	stream.linear.gather [hbm4b:s9+s2], $0x80, $0x38;
	[tilespmem:$0x4080] =	vst v63  }
0x15: {  	_ =	swait.ge [sflag:s3], $0x80  }
0x16: {  	[sflag:s3] =	ssyncset.done $0x0  }
0x17: {  	[sflag:s3] =	ssyncadd.s32 $0xFFFFFF80  }
0x18: {  	[tilespmem:s6], [sflag:$0x1] =	stream.indirect.gather [hbm4b:s5+s6], $0x80, s2, s6, $0xb8;
	[tilespmem:$0x4080] =	vst v63  }
0x19: {  	_ =	swait.ge [sflag:s7], $0x4000  }
0x1a: {  	s10 =	sshll.u32 s10, $0x4;
	[sflag:s7] =	ssyncset.done $0x0  }
0x1b: {  	s10 =	sadd.s32 s14, s10;
	[sflag:s7] =	ssyncadd.s32 $0xFFFFC000  }
0x1c: {  	[hbm4b:s10+s2] =	stream.linear.scatter [tilespmem:s6], [sflag:$0x2], $0x4000, $0x38;
	[tilespmem:$0x4080] =	vst v63  }
0x1d: {  	s15 =	sadd.s32 $0x100, s11;
	_ =	swait.ge [sflag:s3], $0x4000  }
0x1e: {  	s11 =	sshrl.u32 s15, $0x3;
	[sflag:s3] =	ssyncset.done $0x0  }
0x1f: {  	s12 =	ssub.s32 $0x2, s12;
	s11 =	sadd.s32 s13, s11;
	[sflag:s3] =	ssyncadd.s32 $0xFFFFC000  }
0x20: {  	[tilespmem:s2], [sflag:$0x2] =	stream.linear.gather [hbm4b:s11+s2], $0x80, $0x38;
	[tilespmem:$0x4080] =	vst v63  }
0x21: {  	s30 =	sshrl.u32 s12, $0x1;
	_ =	swait.ge [sflag:s3], $0x80  }
0x22: {  	s13 =	ssub.s32 s12, s30;
	[sflag:s3] =	ssyncset.done $0x0  }
0x23: {  	s13 =	smax.u32 s13, $0x1;
	[sflag:s3] =	ssyncadd.s32 $0xFFFFFF80  }
0x24: {  	[tilespmem:s6], [sflag:$0x1] =	stream.indirect.gather [hbm4b:s5+s6], $0x80, s2, s6, $0xb8;
	[tilespmem:$0x4080] =	vst v63  }
0x25: {  	p0 =	sne.s32 s13, $0x1;
	_ =	swait.ge [sflag:s7], $0x4000  }
.Ltmp0:
0x26: {  	s31 =	sshll.u32 s15, $0x4;
	[sflag:s7] =	ssyncset.done $0x0;
	(pc) =	sbr.rel @!p0 .LBB2_2-.Ltmp0, $4  }
0x27: {  	s12 =	sadd.s32 s14, s31;
	[sflag:s7] =	ssyncadd.s32 $0xFFFFC000  }
0x28: {  	[hbm4b:s12+s2] =	stream.linear.scatter [tilespmem:s6], [sflag:$0x2], $0x4000, $0x38;
	[tilespmem:$0x4080] =	vst v63  }
0x29: {  	_ =	swait.ge [sflag:s3], $0x4000  }
0x2a: {  	s13 =	sadd.s32 $0xFFFFFFFF, s13;
	[sflag:s3] =	ssyncset.done $0x0  }
.LBB2_1:
0x2b: {  	p0 =	sne.s32 s13, $0x1;
	s13 =	sadd.s32 $0xFFFFFFFF, s13;
	[sflag:s3] =	ssyncadd.s32 $0xFFFFC000  }
0x2c: {  	[tilespmem:s2], [sflag:$0x2] =	stream.linear.gather [hbm4b:s4+s2], $0x80, $0x38;
	[tilespmem:$0x4080] =	vst v63  }
0x2d: {  	_ =	swait.ge [sflag:s3], $0x80  }
0x2e: {  	[sflag:s3] =	ssyncset.done $0x0  }
0x2f: {  	[sflag:s3] =	ssyncadd.s32 $0xFFFFFF80  }
0x30: {  	[tilespmem:s6], [sflag:$0x1] =	stream.indirect.gather [hbm4b:s5+s6], $0x80, s2, s6, $0xb8;
	[tilespmem:$0x4080] =	vst v63  }
0x31: {  	_ =	swait.ge [sflag:s7], $0x4000  }
0x32: {  	[sflag:s7] =	ssyncset.done $0x0  }
0x33: {  	[sflag:s7] =	ssyncadd.s32 $0xFFFFC000  }
0x34: {  	[hbm4b:s8+s2] =	stream.linear.scatter [tilespmem:s6], [sflag:$0x2], $0x4000, $0x38;
	[tilespmem:$0x4080] =	vst v63  }
0x35: {  	_ =	swait.ge [sflag:s3], $0x4000  }
0x36: {  	[sflag:s3] =	ssyncset.done $0x0  }
0x37: {  	[sflag:s3] =	ssyncadd.s32 $0xFFFFC000  }
0x38: {  	[tilespmem:s2], [sflag:$0x2] =	stream.linear.gather [hbm4b:s9+s2], $0x80, $0x38;
	[tilespmem:$0x4080] =	vst v63  }
0x39: {  	_ =	swait.ge [sflag:s3], $0x80  }
0x3a: {  	[sflag:s3] =	ssyncset.done $0x0  }
0x3b: {  	[sflag:s3] =	ssyncadd.s32 $0xFFFFFF80  }
0x3c: {  	[tilespmem:s6], [sflag:$0x1] =	stream.indirect.gather [hbm4b:s5+s6], $0x80, s2, s6, $0xb8;
	[tilespmem:$0x4080] =	vst v63  }
0x3d: {  	_ =	swait.ge [sflag:s7], $0x4000  }
0x3e: {  	[sflag:s7] =	ssyncset.done $0x0  }
0x3f: {  	[sflag:s7] =	ssyncadd.s32 $0xFFFFC000  }
0x40: {  	[hbm4b:s10+s2] =	stream.linear.scatter [tilespmem:s6], [sflag:$0x2], $0x4000, $0x38;
	[tilespmem:$0x4080] =	vst v63  }
0x41: {  	_ =	swait.ge [sflag:s3], $0x4000  }
0x42: {  	[sflag:s3] =	ssyncset.done $0x0  }
0x43: {  	[sflag:s3] =	ssyncadd.s32 $0xFFFFC000  }
0x44: {  	[tilespmem:s2], [sflag:$0x2] =	stream.linear.gather [hbm4b:s11+s2], $0x80, $0x38;
	[tilespmem:$0x4080] =	vst v63  }
0x45: {  	_ =	swait.ge [sflag:s3], $0x80  }
0x46: {  	[sflag:s3] =	ssyncset.done $0x0  }
0x47: {  	[sflag:s3] =	ssyncadd.s32 $0xFFFFFF80  }
0x48: {  	[tilespmem:s6], [sflag:$0x1] =	stream.indirect.gather [hbm4b:s5+s6], $0x80, s2, s6, $0xb8;
	[tilespmem:$0x4080] =	vst v63  }
0x49: {  	_ =	swait.ge [sflag:s7], $0x4000  }
.Ltmp1:
0x4a: {  	[sflag:s7] =	ssyncset.done $0x0;
	(pc) =	sbr.rel @p0 .LBB2_1-.Ltmp1, $4  }
0x4b: {  	[sflag:s7] =	ssyncadd.s32 $0xFFFFC000  }
0x4c: {  	[hbm4b:s12+s2] =	stream.linear.scatter [tilespmem:s6], [sflag:$0x2], $0x4000, $0x38;
	[tilespmem:$0x4080] =	vst v63  }
0x4d: {  	_ =	swait.ge [sflag:s3], $0x4000  }
0x4e: {  	[sflag:s3] =	ssyncset.done $0x0  }
.LBB2_2:
0x4f: {  	[sflag:s3] =	ssyncadd.s32 $0xFFFFC000  }
0x50: {  	_ =	sfence.sel $0x180000  }
0x51: {  	[bflag:$0x0] =	sbarrier.arrive $0xFFFF  }
0x52: {  	p0 =	sne.s32 s0, $0x0;
	_ =	strace $0x9000004D  }
0x53: {  	s0 =	sadd.s32 @!p0 $0x100000, s1;
	[bflag:$0x2] =	sbarrier.arrive $0xFFFF  }
0x54: {  	[sflag:s0] =	ssyncadd.tile.s32 @!p0 $0x1;
	_ =	shalt  }
.Lfunc_end2:
_tile_overlayer_lowered:
.L_overlay_start_2:
0x55: {  	(tag) =	ssettag $0x2  }
0x56: {  	s0 =	rddreg [dreg:$0x0];
	s2 =	stileid.u32  }
0x57: {  	s1 =	rddreg [dreg:$0x1];
	p0 =	sne.s32 s2, $0x0  }
0x58: {  	s3 =	rddreg [dreg:$0x2];
	[bflag:$0x3] =	sbarrier.arrive $0xFFFF;
	s2 =	simm.s32 @!p0 $0x1C02  }
0x59: {  	[timem:s3], [sflag:s2] =	dma.local @!p0 [hbm:s0], s1  }
0x5a: {  	s0 =	simm.s32 @!p0 $0x2  }
0x5b: {  	_ =	swait.ge @!p0 [sflag:s0], s1  }
0x5c: {  	s1 =	ssub.s32 @!p0 $0x0, s1;
	[sflag:s0] =	ssyncset.done @!p0 $0x0  }
0x5d: {  	[sflag:s0] =	ssyncadd.s32 @!p0 s1  }
0x5e: {  	[bflag:$0x3] =	sbarrier.arrive $0xFFFF  }
0x5f: {  	_ =	shalt  }

// kernel: kernel.8.cloned.1.call-start
scs
__scs_entry_jumppad:
0x0: {  	(pc) =	sbr.rel $0x88, $3  }
0x1: {  	(tag) =	ssettag $0x0;
	lr =	simm.s32 $0x1  }
0x2: {  	[smem:$0x3F98] =	sst lr;
	_ =	strace $0xD0000000  }
0x3: {  	_ = 	snop  }
0x4: {  	_ = 	snop  }
0x5: {  	_ = 	snop  }
0x6: {  	_ = 	snop  }
0x7: {  	_ = 	snop  }
__scs_overlays_trampoline_lowered:
0x8: {  	[smem:$0x3FA7] =	sst s0  }
0x9: {  	[smem:$0x3FA8] =	sst s1  }
0xa: {  	[smem:$0x3FA9] =	sst s2  }
0xb: {  	[smem:$0x3FAA] =	sst s3  }
0xc: {  	[smem:$0x3FAB] =	sst s4  }
0xd: {  	[smem:$0x3FAC] =	sst s5  }
0xe: {  	[smem:$0x3FAD] =	sst s6  }
0xf: {  	[smem:$0x3FAE] =	sst s7  }
0x10: {  	[smem:$0x3FAF] =	sst s8  }
0x11: {  	[smem:$0x3FB0] =	sst s9;
	s0 =	simm.s32 @!p0 $0x0  }
0x12: {  	s1 =	sld [smem:$0x3F96];
	s0 =	simm.s32 @p0 $0x1  }
0x13: {  	[smem:$0x3FB1] =	sst s0;
	s0 =	simm.s32 @!p1 $0x0  }
0x14: {  	s2 =	sld [smem:$0x3F95];
	s0 =	simm.s32 @p1 $0x1  }
0x15: {  	[smem:$0x3FB2] =	sst s0;
	s0 =	simm.s32 @!p2 $0x0  }
0x16: {  	s3 =	sld [smem:$0x3FDB];
	s0 =	simm.s32 @p2 $0x1  }
0x17: {  	s4 =	simm.s32 $0x1BF5;
	[smem:$0x3FB4] =	sst s0  }
0x18: {  	s0 =	sld [smem:$0x3F97];
	_ =	swait.ge [sflag:s4], $0x0  }
0x19: {  	s7 =	sld [smem:$0x3F98]  }
0x1a: {  	s8 =	sadd.s32 $0xFFFFE003, lr  }
0x1b: {  	s9 =	sadd.s32 $0xFFFFFEF7, lr;
	s5 =	simm.s32 $0xFFFFFFFF;
	p2 =	slt.u32 s8, $0xFFFFF086  }
0x1c: {  	p1 =	slt.u32 s9, $0xF7A;
	s5 =	simm.s32 @!p2 $0x0  }
0x1d: {  	s5 =	simm.s32 @p1 $0x1;
	p0 =	seq.s32 s7, s2  }
0x1e: {  	s7 =	smul.u32 @!p0 $0xF7A, s2;
	p2 =	seq.s32 @!p0 s5, $0x0  }
0x1f: {  	s9 =	smul.u32 $0xF7A, s1;
	s8 =	simm.s32 @!p0 $0x1BF5;
	p2 =	por !p2, p0  }
0x20: {  	[sflag:s8] =	ssyncset.s32 @!p0 $0xFFFFF086;
	s6 =	sadd.s32 @!p0 s3, s7;
	s7 =	simm.s32 @!p0 $0x108  }
0x21: {  	s3 =	sadd.s32 s3, s9;
	s6 =	sadd.s32 @!p0 $0x88, s6;
	s7 =	simm.s32 @p2 $0x1082  }
0x22: {  	[simem:s7], [sflag:s8] =	dma.local @!p0 [hbm:s6], $0xF7A  }
0x23: {  	s9 =	sor.u32 $0xD0000000, s2;
	s6 =	simm.s32 $0x108;
	_ =	swait.ge @!p0 [sflag:s8], $0x0  }
0x24: {  	s3 =	sadd.s32 $0x88, s3;
	s6 =	simm.s32 @!p1 $0x1082;
	[sflag:s4] =	ssyncset.s32 $0xFFFFF086  }
0x25: {  	[simem:s6], [sflag:s4] =	dma.local [hbm:s3], $0xF7A  }
0x26: {  	[smem:$0x3F98] =	sst s1;
	(tag) =	ssettag s2;
	_ =	strace s9  }
0x27: {  	s1 =	sld [smem:$0x3FA8]  }
0x28: {  	s2 =	sld [smem:$0x3FA9]  }
0x29: {  	s4 =	sld [smem:$0x3FAB]  }
0x2a: {  	p0 =	seq.s32 s5, $0x0;
	s5 =	sld [smem:$0x3FAC]  }
0x2b: {  	s6 =	sld [smem:$0x3FAD]  }
0x2c: {  	s7 =	sld [smem:$0x3FAE]  }
0x2d: {  	s3 =	simm.s32 $0x108;
	s8 =	sld [smem:$0x3FAF]  }
0x2e: {  	s3 =	simm.s32 @!p0 $0x1082;
	s9 =	sld [smem:$0x3FB0]  }
0x2f: {  	lr =	sadd.s32 s0, s3;
	s0 =	sld [smem:$0x3FA7]  }
0x30: {  	s3 =	sld [smem:$0x3FAA]  }
0x31: {  	[smem:$0x3FB3] =	sst s10  }
0x32: {  	s10 =	sld [smem:$0x3FB1];
	_ =	sdelay $0x3  }
0x33: {  	p0 =	seq.s32 s10, $0x1;
	s10 =	sld [smem:$0x3FB3];
	_ =	sdelay $0x3  }
0x34: {  	[smem:$0x3FB3] =	sst s10  }
0x35: {  	s10 =	sld [smem:$0x3FB2];
	_ =	sdelay $0x3  }
0x36: {  	p1 =	seq.s32 s10, $0x1;
	s10 =	sld [smem:$0x3FB3];
	_ =	sdelay $0x3  }
0x37: {  	[smem:$0x3FB3] =	sst s10  }
0x38: {  	s10 =	sld [smem:$0x3FB4]  }
0x39: {  	_ = 	snop;
	(pc) =	sbr.ind lr, $3  }
0x3a: {  	_ = 	snop  }
0x3b: {  	_ = 	snop  }
0x3c: {  	p2 =	seq.s32 s10, $0x1;
	s10 =	sld [smem:$0x3FB3]  }
0x3d: {  	_ =	shalt  }
0x3e: {  	_ =	shalt  }
0x3f: {  	_ =	shalt  }
0x40: {  	_ =	shalt  }
0x41: {  	_ =	shalt  }
0x42: {  	_ =	shalt  }
0x43: {  	_ =	shalt  }
0x44: {  	_ =	shalt  }
0x45: {  	_ =	shalt  }
0x46: {  	_ =	shalt  }
0x47: {  	_ =	shalt  }
0x48: {  	_ =	shalt  }
0x49: {  	_ =	shalt  }
0x4a: {  	_ =	shalt  }
0x4b: {  	_ =	shalt  }
0x4c: {  	_ =	shalt  }
0x4d: {  	_ =	shalt  }
0x4e: {  	_ =	shalt  }
0x4f: {  	_ =	shalt  }
0x50: {  	_ =	shalt  }
0x51: {  	_ =	shalt  }
0x52: {  	_ =	shalt  }
0x53: {  	_ =	shalt  }
0x54: {  	_ =	shalt  }
0x55: {  	_ =	shalt  }
0x56: {  	_ =	shalt  }
0x57: {  	_ =	shalt  }
0x58: {  	_ =	shalt  }
0x59: {  	_ =	shalt  }
0x5a: {  	_ =	shalt  }
0x5b: {  	_ =	shalt  }
0x5c: {  	_ =	shalt  }
0x5d: {  	_ =	shalt  }
0x5e: {  	_ =	shalt  }
0x5f: {  	_ =	shalt  }
0x60: {  	_ =	shalt  }
0x61: {  	_ =	shalt  }
0x62: {  	_ =	shalt  }
0x63: {  	_ =	shalt  }
0x64: {  	_ =	shalt  }
0x65: {  	_ =	shalt  }
0x66: {  	_ =	shalt  }
0x67: {  	_ =	shalt  }
0x68: {  	_ =	shalt  }
0x69: {  	_ =	shalt  }
0x6a: {  	_ =	shalt  }
0x6b: {  	_ =	shalt  }
0x6c: {  	_ =	shalt  }
0x6d: {  	_ =	shalt  }
0x6e: {  	_ =	shalt  }
0x6f: {  	_ =	shalt  }
0x70: {  	_ =	shalt  }
0x71: {  	_ =	shalt  }
0x72: {  	_ =	shalt  }
0x73: {  	_ =	shalt  }
0x74: {  	_ =	shalt  }
0x75: {  	_ =	shalt  }
0x76: {  	_ =	shalt  }
0x77: {  	_ =	shalt  }
0x78: {  	_ =	shalt  }
0x79: {  	_ =	shalt  }
0x7a: {  	_ =	shalt  }
0x7b: {  	_ =	shalt  }
0x7c: {  	_ =	shalt  }
0x7d: {  	_ =	shalt  }
0x7e: {  	_ =	shalt  }
0x7f: {  	_ =	shalt  }
0x80: {  	_ =	shalt  }
0x81: {  	_ =	shalt  }
0x82: {  	_ =	shalt  }
0x83: {  	_ =	shalt  }
0x84: {  	_ =	shalt  }
0x85: {  	_ =	shalt  }
0x86: {  	_ =	shalt  }
0x87: {  	_ =	shalt  }
.Lfunc_end0:
.L_simem_size_0:
called_computation_lowered:
.L_overlay_start_0:
0x88: {  	s2 =	sld [smem:$0x3FD9]  }
0x89: {  	s3 =	sld [smem:$0x3FFE];
	_ =	sdelay $0x1  }
0x8a: {  	s1 =	srdreg.scid  }
0x8b: {  	s0 =	sand.u32 $0x1, s1  }
0x8c: {  	s14 =	sshll.u32 s0, $0xA;
	s2 =	sadd.s32 s3, s2  }
0x8d: {  	s2 =	sadd.s32 s2, s14  }
0x8e: {  	[smem:$0x3FBF] =	sst s2  }
0x8f: {  	_ = 	snop  }
0x90: {  	s2 =	sld [smem:$0x3FD0];
	_ =	sdelay $0x2  }
0x91: {  	s15 =	simm.s32 $0xA;
	s4 =	simm.s32 $0x10  }
0x92: {  	[smem:s4], [sflag:s15] =	dma.local [hbm:s2], $0x1  }
0x93: {  	_ =	swait.eq [sflag:s15], $0x1  }
0x94: {  	[sflag:s15] =	ssyncset.done $0x0  }
0x95: {  	[sflag:s15] =	ssyncadd.s32 $0xFFFFFFFF  }
0x96: {  	s16 =	sld [smem:$0x10];
	(tm) =	ssettm $0x1  }
0x97: {  	s17 =	sld [smem:$0x3FFB];
	_ =	sdelay $0x3  }
0x98: {  	_ =	strace s17  }
0x99: {  	s3 =	sld [smem:$0x3FFC];
	_ =	sdelay $0x3  }
0x9a: {  	_ =	strace s3  }
0x9b: {  	s3 =	sld [smem:$0x3FFD];
	_ =	sdelay $0x3  }
0x9c: {  	_ =	strace s3  }
0x9d: {  	_ =	strace $0x8FFFFFFF  }
0x9e: {  	s18 =	sld [smem:$0x3FDB];
	_ =	sdelay $0x1  }
0x9f: {  	s19 =	simm.s32 $_scs_section_size  }
0xa0: {  	s5 =	simm.s32 $_size__tile_overlayer_lowered;
	s6 =	simm.s32 $_tile_overlayer_lowered  }
0xa1: {  	s22 =	simm.s32 $0x1BFF;
	s21 =	sshll.u32 s6, $0x1;
	s3 =	sadd.s32 s19, s18  }
0xa2: {  	s7 =	simm.s32 $0x0;
	s20 =	sshll.u32 s5, $0x1;
	s5 =	sadd.s32 s21, s3  }
0xa3: {  	[timem:s7], [sflag:s22] =	dma.local [hbm:s5], s20  }
0xa4: {  	_ =	swait.ge [sflag:s22], s20  }
0xa5: {  	s4 =	ssub.s32 $0x0, s20;
	[sflag:s22] =	ssyncset.done $0x0  }
0xa6: {  	[sflag:s22] =	ssyncadd.s32 s4;
	_ =	sdelay $0x1  }
0xa7: {  	s23 =	simm.s32 $0x1B8B  }
0xa8: {  	_ =	swait.ge [sflag:s23], $0x1  }
0xa9: {  	[sflag:s23] =	ssyncset.done $0x0  }
0xaa: {  	s25 =	simm.s32 $0x1B8E;
	s24 =	sld [smem:$0x3FFE];
	[sflag:s23] =	ssyncadd.s32 $0xFFFFFFFF  }
0xab: {  	s26 =	simm.s32 $execute0_lowered;
	[smem:$0x3FD2] =	sst s25  }
0xac: {  	s5 =	sshll.u32 s26, $0x1;
	_ =	strace $0x80000046;
	[dreg:$0x1] =	wrdreg $0xFFFFFFFF  }
0xad: {  	s28 =	simm.s32 $_size_execute0_lowered;
	s3 =	sadd.s32 s3, s5;
	[dreg:$0x0] =	wrdreg $0x0  }
0xae: {  	s5 =	sshll.u32 s28, $0x1;
	[dreg:$0x2] =	wrdreg s3  }
0xaf: {  	[dreg:$0x3] =	wrdreg s5  }
0xb0: {  	[dreg:$0x4] =	wrdreg $0xC0  }
0xb1: {  	_ =	task [dreg:s7], $0x5FFFF  }
0xb2: {  	[dreg:$0x1] =	wrdreg $0xFFFFFFFF  }
0xb3: {  	[dreg:$0x0] =	wrdreg $0x60  }
0xb4: {  	[dreg:$0x2] =	wrdreg s24  }
0xb5: {  	[dreg:$0x3] =	wrdreg s16  }
0xb6: {  	[dreg:$0x4] =	wrdreg $0x196A00  }
0xb7: {  	[dreg:$0x5] =	wrdreg $0x9  }
0xb8: {  	_ =	task.clear_ibuf [dreg:s7], $0x6FFFF;
	_ =	strace $0x90000046  }
0xb9: {  	s29 =	simm.s32 $0x9;
	_ =	strace $0x80000048  }
0xba: {  	_ =	swait.ge [sflag:s29], $0x1  }
0xbb: {  	[sflag:s29] =	ssyncadd.s32 $0xFFFFFFFF  }
0xbc: {  	_ =	strace $0x90000048  }
0xbd: {  	_ =	sfence  }
0xbe: {  	s30 =	sld [smem:$0x0];
	_ =	sdelay $0x2  }
0xbf: {  	s31 =	sshll.u32 s1, $0xD;
	s1 =	sshrl.u32 s1, $0x2  }
0xc0: {  	s3 =	sand.u32 $0x4000, s31;
	s1 =	sadd.s32 s1, s30  }
0xc1: {  	s0 =	sor.u32 s3, s0;
	s1 =	sshll.u32 s1, $0x11  }
0xc2: {  	s0 =	sor.u32 s1, s0  }
0xc3: {  	s0 =	sadd.s32 $0x8F2B, s0  }
0xc4: {  	[sflag:s0] =	ssyncadd.remote.s32 $0x1  }
0xc5: {  	_ =	sfence.sel $0xFFFF  }
0xc6: {  	[dreg:$0x0] =	wrdreg $0xFFFFFFFF;
	(pc) =	sbr.abs _section_cstart, $3  }
0xc7: {  	[dreg:$0x1] =	wrdreg $0xFFFFFFFF  }
0xc8: {  	_ =	task.clear_ibuf [dreg:s7], $0x2FFFF;
	_ =	strace $0x9FFFFFFF  }
0xc9: {  	(tm) =	ssettm $0x7FFFFFFF  }
tec
execute0_lowered:
.L_overlay_start_1:
0x0: {  	(tag) =	ssettag $0x1  }
0x1: {  	s10 =	rddreg [dreg:$0x0]  }
0x2: {  	s1 =	rddreg [dreg:$0x1]  }
0x3: {  	s3 =	rddreg [dreg:$0x2]  }
0x4: {  	s0 =	rddreg [dreg:$0x3];
	s4 =	simm.s32 $0x0  }
0x5: {  	s5 =	srdreg.scid;
	s2 =	stileid.u32;
	s16 =	simm.s32 $0xC350  }
0x6: {  	s17 =	simm.s32 $0x186A0;
	s18 =	simm.s32 $0x18BA0;
	s19 =	simm.s32 $0x80  }
0x7: {  	s20 =	simm.s32 $0x190A0;
	s21 =	simm.s32 $0x19120;
	s22 =	simm.s32 $0x191A0  }
0x8: {  	s23 =	simm.s32 $0x0;
	[smem:$0x7FF] =	sst s4;
	s12 =	smul.u32 $0xC80, s2  }
0x9: {  	s11 =	sand.u32 $0x1, s5;
	s5 =	sadd.s32 $0x312C00, s10;
	s6 =	sadd.s32 $0x311200, s10  }
0xa: {  	s7 =	sadd.s32 $0x32D600, s10;
	s8 =	sadd.s32 $0x314600, s10;
	s15 =	sshll.u32 s2, $0x1  }
0xb: {  	s30 =	sshll.u32 s2, $0x6;
	_ =	strace $0x80000047;
	s9 =	smul.u32 $0xC800, s11  }
0xc: {  	s14 =	ssub.s32 $0x2, s11;
	s11 =	sor.u32 s11, s15;
	s15 =	simm.s32 $0x1  }
0xd: {  	s29 =	sshrl.u32 s14, $0x1;
	s31 =	sadd.s32 s12, s3;
	s13 =	sadd.s32 s12, s9  }
0xe: {  	s11 =	smul.u32 $0x6400, s11;
	s9 =	sadd.s32 $0x349800, s10;
	s13 =	sshrl.u32 s13, $0x3  }
0xf: {  	s14 =	ssub.s32 s14, s29;
	s13 =	sadd.s32 s13, s10;
	s10 =	sor.u32 $0x1C01, s30  }
0x10: {  	s12 =	sadd.s32 $0x346600, s13;
	s13 =	smax.u32 s14, $0x1;
	s14 =	sshrl.u32 s31, $0x3  }
.LBB2_1:
0x11: {  	[spmem:s14], [sflag:s10] =	dma.local [hbm:s1], $0x190  }
0x12: {  	_ =	swait.ge [sflag:s15], $0x190  }
0x13: {  	[sflag:s15] =	ssyncset.done $0x0  }
0x14: {  	[sflag:s15] =	ssyncadd.s32 $0xFFFFFE70  }
0x15: {  	[tilespmem:s4], [sflag:$0x1] =	stream.linear.gather [hbm4b:s5+s4], $0xC350, $0x38;
	[tilespmem:$0x1A320] =	vst v63  }
0x16: {  	_ =	swait.ge [sflag:s15], $0xC350  }
0x17: {  	[sflag:s15] =	ssyncset.done $0x0  }
0x18: {  	[sflag:s15] =	ssyncadd.s32 $0xFFFF3CB0  }
0x19: {  	[tilespmem:s16], [sflag:$0x1] =	stream.linear.gather [hbm4b:s6+s4], $0xC350, $0x38;
	[tilespmem:$0x1A320] =	vst v63  }
0x1a: {  	_ =	swait.ge [sflag:s15], $0xC350  }
0x1b: {  	[sflag:s15] =	ssyncset.done $0x0  }
0x1c: {  	[sflag:s15] =	ssyncadd.s32 $0xFFFF3CB0  }
0x1d: {  	s24 =	simm.s32 $0x0;
	[bflag:$0x0] =	sbarrier.arrive $0xFFFF  }
.LBB2_2:
0x1e: {  	s25 =	smul.u32 $0x500, s24;
	_ =	sdelay $0x1  }
0x1f: {  	s25 =	sadd.s32 s11, s25  }
0x20: {  	s25 =	sshrl.u32 s25, $0x3  }
0x21: {  	s26 =	simm.s32 $0x0;
	s28 =	sadd.s32 s7, s25  }
0x22: {  	[tilespmem:s17], [sflag:$0x1] =	stream.linear.gather [hbm4b:s28+s26], $0x500, $0x38;
	[tilespmem:$0x1A320] =	vst v63  }
0x23: {  	_ =	swait.ge [sflag:s15], $0x500  }
0x24: {  	[sflag:s15] =	ssyncset.done $0x0  }
0x25: {  	s31 =	sadd.s32 s8, s25;
	[sflag:s15] =	ssyncadd.s32 $0xFFFFFB00  }
0x26: {  	[tilespmem:s18], [sflag:$0x1] =	stream.linear.gather [hbm4b:s31+s26], $0x500, $0x38;
	[tilespmem:$0x1A320] =	vst v63  }
0x27: {  	_ =	swait.ge [sflag:s15], $0x500  }
0x28: {  	[sflag:s15] =	ssyncset.done $0x0  }
0x29: {  	[sflag:s15] =	ssyncadd.s32 $0xFFFFFB00  }
.LBB2_3:
0x2a: {  	s28 =	sshra.s32 s26, $0x2  }
0x2b: {  	v0 =	vld [tilespmem:s28+$0x186A0]  }
0x2c: {  	v1 =	vld [tilespmem:s28+$0x18BA0];
	_ =	sdelay $0x6  }
0x2d: {  	v0 =	vld.idx.msk [tilespmem:v0+s4+$0x0], $0xffff  }
0x2e: {  	v2 =	vld.idx.msk [tilespmem:v1+s16+$0x0], $0xffff;
	_ =	sdelay $0x4  }
0x2f: {  	v0 =	vadd.f32 v2, v0;
	_ =	sdelay $0x1  }
0x30: {  	v2 =	vmul.f32 $2.000000030e-01, v0;
	_ =	sdelay $0x1  }
0x31: {  	v0 =	vmax.f32 v0, v2  }
0x32: {  	v0 =	vmul.f32 $1.442695020e+00, v0;
	_ =	sdelay $0x1  }
0x33: {  	(erf) = vpow2.f32 v0;
	_ =	sdelay $0x8  }
0x34: {  	[tilespmem:$0x190A0] =	vst v1;
	v0 =	vpop (erf)  }
0x35: {  	[tilespmem:$0x19120] =	vst v0  }
0x36: {  	v1 =	vld [tilespmem:s28+$0x186B0]  }
0x37: {  	v50 =	vld [tilespmem:s28+$0x18BB0];
	_ =	sdelay $0x5  }
0x38: {  	[tilespmem:s28+$0x191A0] =	vst v0  }
0x39: {  	v0 =	vld.idx.msk [tilespmem:v1+s4+$0x0], $0xffff  }
0x3a: {  	v51 =	vld.idx.msk [tilespmem:v50+s16+$0x0], $0xffff;
	_ =	sdelay $0x4  }
0x3b: {  	v0 =	vadd.f32 v51, v0;
	_ =	sdelay $0x1  }
0x3c: {  	v1 =	vmul.f32 $2.000000030e-01, v0;
	_ =	sdelay $0x1  }
0x3d: {  	v0 =	vmax.f32 v0, v1  }
0x3e: {  	v0 =	vmul.f32 $1.442695020e+00, v0;
	_ =	sdelay $0x1  }
0x3f: {  	(erf) = vpow2.f32 v0;
	_ =	sdelay $0x8  }
0x40: {  	[tilespmem:$0x190B0] =	vst v50;
	v0 =	vpop (erf)  }
0x41: {  	[tilespmem:$0x19130] =	vst v0  }
0x42: {  	v52 =	vld [tilespmem:s28+$0x186C0]  }
0x43: {  	v2 =	vld [tilespmem:s28+$0x18BC0];
	_ =	sdelay $0x5  }
0x44: {  	[tilespmem:s28+$0x191B0] =	vst v0  }
0x45: {  	v0 =	vld.idx.msk [tilespmem:v52+s4+$0x0], $0xffff  }
0x46: {  	v53 =	vld.idx.msk [tilespmem:v2+s16+$0x0], $0xffff;
	_ =	sdelay $0x4  }
0x47: {  	v0 =	vadd.f32 v53, v0;
	_ =	sdelay $0x1  }
0x48: {  	v1 =	vmul.f32 $2.000000030e-01, v0;
	_ =	sdelay $0x1  }
0x49: {  	v0 =	vmax.f32 v0, v1  }
0x4a: {  	v0 =	vmul.f32 $1.442695020e+00, v0;
	_ =	sdelay $0x1  }
0x4b: {  	(erf) = vpow2.f32 v0;
	_ =	sdelay $0x8  }
0x4c: {  	[tilespmem:$0x190C0] =	vst v2;
	v0 =	vpop (erf)  }
0x4d: {  	[tilespmem:$0x19140] =	vst v0  }
0x4e: {  	v54 =	vld [tilespmem:s28+$0x186D0]  }
0x4f: {  	v2 =	vld [tilespmem:s28+$0x18BD0];
	_ =	sdelay $0x5  }
0x50: {  	[tilespmem:s28+$0x191C0] =	vst v0  }
0x51: {  	v0 =	vld.idx.msk [tilespmem:v54+s4+$0x0], $0xffff  }
0x52: {  	v55 =	vld.idx.msk [tilespmem:v2+s16+$0x0], $0xffff;
	_ =	sdelay $0x4  }
0x53: {  	v0 =	vadd.f32 v55, v0;
	_ =	sdelay $0x1  }
0x54: {  	v1 =	vmul.f32 $2.000000030e-01, v0;
	_ =	sdelay $0x1  }
0x55: {  	v0 =	vmax.f32 v0, v1  }
0x56: {  	v0 =	vmul.f32 $1.442695020e+00, v0;
	_ =	sdelay $0x1  }
0x57: {  	(erf) = vpow2.f32 v0;
	_ =	sdelay $0x8  }
0x58: {  	[tilespmem:$0x190D0] =	vst v2;
	v0 =	vpop (erf)  }
0x59: {  	[tilespmem:$0x19150] =	vst v0  }
0x5a: {  	v56 =	vld [tilespmem:s28+$0x186E0]  }
0x5b: {  	v2 =	vld [tilespmem:s28+$0x18BE0];
	_ =	sdelay $0x5  }
0x5c: {  	[tilespmem:s28+$0x191D0] =	vst v0  }
0x5d: {  	v0 =	vld.idx.msk [tilespmem:v56+s4+$0x0], $0xffff  }
0x5e: {  	v57 =	vld.idx.msk [tilespmem:v2+s16+$0x0], $0xffff;
	_ =	sdelay $0x4  }
0x5f: {  	v0 =	vadd.f32 v57, v0;
	_ =	sdelay $0x1  }
0x60: {  	v1 =	vmul.f32 $2.000000030e-01, v0;
	_ =	sdelay $0x1  }
0x61: {  	v0 =	vmax.f32 v0, v1  }
0x62: {  	v0 =	vmul.f32 $1.442695020e+00, v0;
	_ =	sdelay $0x1  }
0x63: {  	(erf) = vpow2.f32 v0;
	_ =	sdelay $0x8  }
0x64: {  	[tilespmem:$0x190E0] =	vst v2;
	v0 =	vpop (erf)  }
0x65: {  	[tilespmem:$0x19160] =	vst v0  }
0x66: {  	v58 =	vld [tilespmem:s28+$0x186F0]  }
0x67: {  	v2 =	vld [tilespmem:s28+$0x18BF0];
	_ =	sdelay $0x5  }
0x68: {  	[tilespmem:s28+$0x191E0] =	vst v0  }
0x69: {  	v0 =	vld.idx.msk [tilespmem:v58+s4+$0x0], $0xffff  }
0x6a: {  	v59 =	vld.idx.msk [tilespmem:v2+s16+$0x0], $0xffff;
	_ =	sdelay $0x4  }
0x6b: {  	v0 =	vadd.f32 v59, v0;
	_ =	sdelay $0x1  }
0x6c: {  	v1 =	vmul.f32 $2.000000030e-01, v0;
	_ =	sdelay $0x1  }
0x6d: {  	v0 =	vmax.f32 v0, v1  }
0x6e: {  	v0 =	vmul.f32 $1.442695020e+00, v0;
	_ =	sdelay $0x1  }
0x6f: {  	(erf) = vpow2.f32 v0;
	_ =	sdelay $0x8  }
0x70: {  	[tilespmem:$0x190F0] =	vst v2;
	v0 =	vpop (erf)  }
0x71: {  	[tilespmem:$0x19170] =	vst v0  }
0x72: {  	v60 =	vld [tilespmem:s28+$0x18700]  }
0x73: {  	v2 =	vld [tilespmem:s28+$0x18C00];
	_ =	sdelay $0x5  }
0x74: {  	[tilespmem:s28+$0x191F0] =	vst v0  }
0x75: {  	v0 =	vld.idx.msk [tilespmem:v60+s4+$0x0], $0xffff  }
0x76: {  	v61 =	vld.idx.msk [tilespmem:v2+s16+$0x0], $0xffff;
	_ =	sdelay $0x4  }
0x77: {  	v0 =	vadd.f32 v61, v0;
	_ =	sdelay $0x1  }
0x78: {  	v1 =	vmul.f32 $2.000000030e-01, v0;
	_ =	sdelay $0x1  }
0x79: {  	v0 =	vmax.f32 v0, v1  }
0x7a: {  	v0 =	vmul.f32 $1.442695020e+00, v0;
	_ =	sdelay $0x1  }
0x7b: {  	(erf) = vpow2.f32 v0;
	_ =	sdelay $0x8  }
0x7c: {  	[tilespmem:$0x19100] =	vst v2;
	v0 =	vpop (erf)  }
0x7d: {  	[tilespmem:$0x19180] =	vst v0  }
0x7e: {  	v62 =	vld [tilespmem:s28+$0x18710]  }
0x7f: {  	v2 =	vld [tilespmem:s28+$0x18C10];
	_ =	sdelay $0x5  }
0x80: {  	[tilespmem:s28+$0x19200] =	vst v0  }
0x81: {  	v0 =	vld.idx.msk [tilespmem:v62+s4+$0x0], $0xffff  }
0x82: {  	v63 =	vld.idx.msk [tilespmem:v2+s16+$0x0], $0xffff;
	_ =	sdelay $0x4  }
0x83: {  	v0 =	vadd.f32 v63, v0;
	_ =	sdelay $0x1  }
0x84: {  	v1 =	vmul.f32 $2.000000030e-01, v0;
	_ =	sdelay $0x1  }
0x85: {  	v0 =	vmax.f32 v0, v1  }
0x86: {  	v0 =	vmul.f32 $1.442695020e+00, v0;
	_ =	sdelay $0x1  }
0x87: {  	(erf) = vpow2.f32 v0;
	_ =	sdelay $0x8  }
0x88: {  	[tilespmem:$0x19110] =	vst v2;
	v0 =	vpop (erf)  }
0x89: {  	p0 =	sne.s32 s26, $0x1200;
	[tilespmem:$0x19190] =	vst v0  }
.Ltmp0:
0x8a: {  	[tilespmem:s28+$0x19210] =	vst v0;
	(pc) =	sbr.rel @p0 .LBB2_3-.Ltmp0, $4  }
0x8b: {  	[spmem:s3] =	stream.indirect.scatter.add.f32 [tilespmem:s21], [sflag:$0x1], $0x1, s20, s19, $0xb8;
	[tilespmem:$0x1A320] =	vst v63  }
0x8c: {  	_ =	swait.ge [sflag:s15], $0x80  }
0x8d: {  	[sflag:s15] =	ssyncset.done $0x0  }
0x8e: {  	s26 =	sadd.s32 $0x200, s26;
	[sflag:s15] =	ssyncadd.s32 $0xFFFFFF80  }
0x8f: {  	s24 =	sadd.s32 $0x1, s24  }
0x90: {  	p0 =	sne.s32 s24, $0x14  }
.Ltmp1:
0x91: {  	s25 =	sadd.s32 s9, s25;
	(pc) =	sbr.rel @p0 .LBB2_2-.Ltmp1, $4  }
0x92: {  	[hbm4b:s25+s4] =	stream.linear.scatter [tilespmem:s22], [sflag:$0x1], $0x500, $0x38;
	[tilespmem:$0x1A320] =	vst v63  }
0x93: {  	_ =	swait.ge [sflag:s15], $0x500  }
0x94: {  	[sflag:s15] =	ssyncset.done $0x0  }
0x95: {  	[sflag:s15] =	ssyncadd.s32 $0xFFFFFB00  }
0x96: {  	s23 =	sadd.s32 $0x1, s23  }
0x97: {  	p0 =	sne.s32 s23, s13  }
.Ltmp2:
0x98: {  	[bflag:$0x0] =	sbarrier.arrive $0xFFFF;
	(pc) =	sbr.rel @p0 .LBB2_1-.Ltmp2, $4  }
0x99: {  	[hbm:s12], [sflag:s10] =	dma.local [spmem:s14], $0x190  }
0x9a: {  	_ =	swait.ge [sflag:s15], $0x190  }
0x9b: {  	[sflag:s15] =	ssyncset.done $0x0  }
0x9c: {  	[sflag:s15] =	ssyncadd.s32 $0xFFFFFE70  }
0x9d: {  	_ =	sfence.sel $0x180000  }
0x9e: {  	[bflag:$0x0] =	sbarrier.arrive $0xFFFF  }
0x9f: {  	p0 =	sne.s32 s2, $0x0;
	_ =	strace $0x90000047  }
0xa0: {  	s0 =	sadd.s32 @!p0 $0x100000, s0;
	[bflag:$0x2] =	sbarrier.arrive $0xFFFF  }
0xa1: {  	[sflag:s0] =	ssyncadd.tile.s32 @!p0 $0x1;
	_ =	shalt  }
.Lfunc_end2:
_tile_overlayer_lowered:
.L_overlay_start_2:
0xa2: {  	(tag) =	ssettag $0x2  }
0xa3: {  	s0 =	rddreg [dreg:$0x0];
	s2 =	stileid.u32  }
0xa4: {  	s1 =	rddreg [dreg:$0x1];
	p0 =	sne.s32 s2, $0x0  }
0xa5: {  	s3 =	rddreg [dreg:$0x2];
	[bflag:$0x3] =	sbarrier.arrive $0xFFFF;
	s2 =	simm.s32 @!p0 $0x1C01  }
0xa6: {  	[timem:s3], [sflag:s2] =	dma.local @!p0 [hbm:s0], s1  }
0xa7: {  	s0 =	simm.s32 @!p0 $0x1  }
0xa8: {  	_ =	swait.ge @!p0 [sflag:s0], s1  }
0xa9: {  	s1 =	ssub.s32 @!p0 $0x0, s1;
	[sflag:s0] =	ssyncset.done @!p0 $0x0  }
0xaa: {  	[sflag:s0] =	ssyncadd.s32 @!p0 s1  }
0xab: {  	[bflag:$0x3] =	sbarrier.arrive $0xFFFF  }
0xac: {  	_ =	shalt  }

</sc_bundles>
